<compile_context>
chip_gen: v7x
topology: tpu7x:2x2x1
jax: 0.10.2.dev20260603
libtpu: 0.0.44.dev20260713+nightly
codegen_flags: <defaults>
</compile_context>

<pallas_src>
import functools

import jax
import jax.numpy as jnp
from jax import lax
from jax.experimental import pallas as pl
from jax.experimental.pallas import tpu as pltpu
from jax.experimental.pallas import tpu_sc as plsc

B, L, V, D = 1024, 4096, 6, 128
VP = 8
LANES = 16
DC = 8
NDC = D // DC
NG = L // LANES
NBUF = 2

_info = plsc.get_sparse_core_info()
_NC, _NS = _info.num_cores, _info.num_subcores
NW = _NC * _NS
BPW = B // NW


@functools.partial(
    pl.kernel,
    mesh=plsc.VectorSubcoreMesh(core_axis_name="c", subcore_axis_name="s"),
    out_type=jax.ShapeDtypeStruct((B, D, L), jnp.float32),
    compiler_params=pltpu.CompilerParams(needs_layout_passes=False),
    scratch_types=[
        pltpu.VMEM((D * VP,), jnp.float32),
        pltpu.VMEM((L,), jnp.int32),
        pltpu.VMEM((L,), jnp.int32),
        pltpu.VMEM((DC, L), jnp.float32),
        pltpu.VMEM((DC, L), jnp.float32),
        pltpu.SemaphoreType.DMA,
        pltpu.SemaphoreType.DMA,
        pltpu.SemaphoreType.DMA,
        pltpu.SemaphoreType.DMA,
    ],
)
def _emb_lookup(seq_hbm, tab_hbm, out_hbm, tab_v, seq_v0, seq_v1,
                out_v0, out_v1, osem0, osem1, ssem0, ssem1):
    wid = lax.axis_index("s") * _NC + lax.axis_index("c")
    base = wid * BPW
    pltpu.sync_copy(tab_hbm, tab_v)
    obufs = (out_v0, out_v1)
    osems = (osem0, osem1)
    sbufs = (seq_v0, seq_v1)
    ssems = (ssem0, ssem1)

    def fill(sq, buf, dc):
        tab_base = dc * (DC * VP)

        @plsc.parallel_loop(0, NG, unroll=2)
        def per_g(g):
            s = sq[pl.ds(g * LANES, LANES)]
            for dd in range(DC):
                idx = s + (tab_base + dd * VP)
                vals = plsc.load_gather(tab_v, [idx])
                buf[dd, pl.ds(g * LANES, LANES)] = vals

    pltpu.make_async_copy(
        seq_hbm.at[pl.ds(wid * L, L)], sbufs[0], ssems[0]
    ).start()

    def per_b2(bb2, carry):
        for sp in range(2):
            bb = bb2 * 2 + sp
            b = bb * NW + wid
            pltpu.make_async_copy(
                seq_hbm.at[pl.ds(0, L)], sbufs[sp], ssems[sp]
            ).wait()
            nxt = jnp.minimum(b + NW, (BPW - 1) * NW + wid)
            pltpu.make_async_copy(
                seq_hbm.at[pl.ds(nxt * L, L)], sbufs[1 - sp], ssems[1 - sp]
            ).start()

            def per_dc2(dc2, carry2, _bb=bb, _b=b, _sp=sp):
                for par in range(NBUF):
                    dc = dc2 * NBUF + par
                    if _sp == 0:
                        pred = (dc2 > 0) | (bb2 > 0)
                    else:
                        pred = dc2 >= 0

                    @pl.when(pred)
                    def _wait_prev():
                        pltpu.make_async_copy(
                            obufs[par], out_hbm.at[0, pl.ds(0, DC)], osems[par]
                        ).wait()

                    fill(sbufs[_sp], obufs[par], dc)
                    pltpu.make_async_copy(
                        obufs[par], out_hbm.at[_b, pl.ds(dc * DC, DC)],
                        osems[par]
                    ).start()
                return carry2

            lax.fori_loop(0, NDC // NBUF, per_dc2, 0)
        return carry

    lax.fori_loop(0, BPW // 2, per_b2, 0)

    for par in range(NBUF):
        pltpu.make_async_copy(
            obufs[par], out_hbm.at[0, pl.ds(0, DC)], osems[par]
        ).wait()
    pltpu.make_async_copy(
        seq_hbm.at[pl.ds(0, L)], sbufs[0], ssems[0]
    ).wait()


def kernel(seq, table):
    seq = seq.astype(jnp.int32)
    table_eff = table.at[0].set(0.0)
    tab_flat = jnp.pad(table_eff.T, ((0, 0), (0, VP - V))).reshape(-1)
    return _emb_lookup(seq.reshape(-1), tab_flat)

# --- scband reference (transcript-rebuilt; emitter-appended) ---
"""Pipeline reference for scband-sparse-embedding-57784490001059 (READ-ONLY COPY).

The authoritative reference and input builder live on the scoring server;
editing this copy changes nothing except your own understanding.
"""

import jax, jax.numpy as jnp
import numpy as np

B, L, V, D = 1024, 4096, 6, 128

def setup_inputs(seed: int = 0) -> dict:
    key = jax.random.key(seed)
    k1, k2 = jax.random.split(key)
    # seq: integer-encoded nucleotide strings (the torch module maps chars via a
    # defaultdict vocab {'0':0,'a':1,'c':2,'g':3,'t':4,'u':4, other:5}); here we
    # model the already-tokenized int sequence directly.
    seq = jax.random.randint(k1, (B, L), 0, V)
    # embedding table, row 0 is padding_idx (zeroed, matching nn.Embedding(padding_idx=0))
    table = jax.random.normal(k2, (V, D), dtype=jnp.float32)
    return {"seq": seq, "table": table}

def reference(seq, table):
    # nn.Embedding with padding_idx=0: row 0 behaves as zeros
    table_eff = table.at[0].set(0.0)
    emb = jnp.take(table_eff, seq, axis=0)      # [B, L, D] gather
    return jnp.transpose(emb, (0, 2, 1))        # .transpose(1, 2) -> [B, D, L]

if __name__ == "__main__":
    import jax
    _d = setup_inputs()
    print(jax.jit(kernel)(*tuple(_d.values())))

</pallas_src>

<mosaic_0001>
#map = affine_map<(d0, d1) -> (0)>
#map1 = affine_map<(d0, d1) -> (0, 0, 0)>
module attributes {stable_mosaic.version = 14 : i64} {
  func.func @_emb_lookup(%arg0: i32, %arg1: i32, %arg2: memref<4194304xi32, #tpu.memory_space<hbm>>, %arg3: memref<1024xf32, #tpu.memory_space<hbm>>, %arg4: memref<1024x128x4096xf32, #tpu.memory_space<hbm>>, %arg5: memref<1024xf32, #tpu.memory_space<vmem>>, %arg6: memref<4096xi32, #tpu.memory_space<vmem>>, %arg7: memref<4096xi32, #tpu.memory_space<vmem>>, %arg8: memref<8x4096xf32, #tpu.memory_space<vmem>>, %arg9: memref<8x4096xf32, #tpu.memory_space<vmem>>, %arg10: memref<!tpu.dma_semaphore, #tpu.memory_space<semaphore_mem>>, %arg11: memref<!tpu.dma_semaphore, #tpu.memory_space<semaphore_mem>>, %arg12: memref<!tpu.dma_semaphore, #tpu.memory_space<semaphore_mem>>, %arg13: memref<!tpu.dma_semaphore, #tpu.memory_space<semaphore_mem>>) attributes {dimension_semantics = [#tpu.dimension_semantics<core_parallel>, #tpu.dimension_semantics<subcore_parallel>], iteration_bounds = array<i64: 2, 16>, scalar_prefetch = 0 : i64, scratch_operands = 9 : i64, tpu.core_type = #tpu.core_type<sc_vector_subcore>, window_params = [{transform_indices = #map}, {transform_indices = #map}, {transform_indices = #map1}]} {
    %mul3A = arith.constant 2 : i32
    %mul3A_0 = arith.muli %arg1, %mul3A : i32
    %add3A = arith.addi %mul3A_0, %arg0 : i32
    %mul3A_1 = arith.constant 32 : i32
    %mul3A_2 = arith.muli %add3A, %mul3A_1 : i32
    "tpu.region"() ({
      %run_scoped3A = tpu.sem_alloc : memref<!tpu.dma_semaphore, #tpu.memory_space<semaphore_mem>>
      tpu.enqueue_dma source(%arg3 : memref<1024xf32, #tpu.memory_space<hbm>>) target(%arg5 : memref<1024xf32, #tpu.memory_space<vmem>>) target_semaphore(%run_scoped3A : memref<!tpu.dma_semaphore, #tpu.memory_space<semaphore_mem>>)
      tpu.wait_dma2 semaphore(%run_scoped3A : memref<!tpu.dma_semaphore, #tpu.memory_space<semaphore_mem>>) src(%arg3 : memref<1024xf32, #tpu.memory_space<hbm>>) dst(%arg5 : memref<1024xf32, #tpu.memory_space<vmem>>)
      tpu.yield
    }) : () -> ()
    %mul3A_3 = arith.constant 4096 : i32
    %mul3A_4 = arith.muli %add3A, %mul3A_3 : i32
    %dma_start3A = tpu.memref_slice %arg2[%mul3A_4] : memref<4194304xi32, #tpu.memory_space<hbm>> -> memref<4096xi32, #tpu.memory_space<hbm>>
    %dma_start3A_5 = tpu.memref_slice %arg2[%mul3A_4] : memref<4194304xi32, #tpu.memory_space<hbm>> -> memref<4096xi32, #tpu.memory_space<hbm>>
    tpu.enqueue_dma source(%dma_start3A_5 : memref<4096xi32, #tpu.memory_space<hbm>>) target(%arg6 : memref<4096xi32, #tpu.memory_space<vmem>>) target_semaphore(%arg12 : memref<!tpu.dma_semaphore, #tpu.memory_space<semaphore_mem>>)
    %scan3A = arith.constant 0 : i32
    %scan3A_6 = arith.constant 0 : i32
    %scan3A_7 = arith.constant 16 : i32
    %scan3A_8 = arith.addi %scan3A_6, %scan3A_7 : i32
    %scan3A_9 = arith.constant 1 : i32
    scf.for %scan3A_32 = %scan3A_6 to %scan3A_8 step %scan3A_9  : i32 {
      %mul3A_33 = arith.constant 2 : i32
      %mul3A_34 = arith.muli %scan3A_32, %mul3A_33 : i32
      %add3A_35 = arith.constant 0 : i32
      %add3A_36 = arith.addi %mul3A_34, %add3A_35 : i32
      %mul3A_37 = arith.constant 32 : i32
      %mul3A_38 = arith.muli %add3A_36, %mul3A_37 : i32
      %add3A_39 = arith.addi %mul3A_38, %add3A : i32
      %dma_wait3A_40 = arith.constant 0 : i32
      %dma_wait3A_41 = tpu.memref_slice %arg2[%dma_wait3A_40] : memref<4194304xi32, #tpu.memory_space<hbm>> -> memref<4096xi32, #tpu.memory_space<hbm>>
      %dma_wait3A_42 = arith.constant 0 : i32
      %dma_wait3A_43 = tpu.memref_slice %arg2[%dma_wait3A_42] : memref<4194304xi32, #tpu.memory_space<hbm>> -> memref<4096xi32, #tpu.memory_space<hbm>>
      tpu.wait_dma2 semaphore(%arg12 : memref<!tpu.dma_semaphore, #tpu.memory_space<semaphore_mem>>) src(%dma_wait3A_43 : memref<4096xi32, #tpu.memory_space<hbm>>) dst(%arg6 : memref<4096xi32, #tpu.memory_space<vmem>>)
      %add3A_44 = arith.constant 32 : i32
      %add3A_45 = arith.addi %add3A_39, %add3A_44 : i32
      %add3A_46 = arith.constant 992 : i32
      %add3A_47 = arith.addi %add3A_46, %add3A : i32
      %min3A = arith.minsi %add3A_45, %add3A_47 : i32
      %mul3A_48 = arith.constant 4096 : i32
      %mul3A_49 = arith.muli %min3A, %mul3A_48 : i32
      %dma_start3A_50 = tpu.memref_slice %arg2[%mul3A_49] : memref<4194304xi32, #tpu.memory_space<hbm>> -> memref<4096xi32, #tpu.memory_space<hbm>>
      %dma_start3A_51 = tpu.memref_slice %arg2[%mul3A_49] : memref<4194304xi32, #tpu.memory_space<hbm>> -> memref<4096xi32, #tpu.memory_space<hbm>>
      tpu.enqueue_dma source(%dma_start3A_51 : memref<4096xi32, #tpu.memory_space<hbm>>) target(%arg7 : memref<4096xi32, #tpu.memory_space<vmem>>) target_semaphore(%arg13 : memref<!tpu.dma_semaphore, #tpu.memory_space<semaphore_mem>>)
      %scan3A_52 = arith.constant 0 : i32
      %scan3A_53 = arith.constant 0 : i32
      %scan3A_54 = arith.constant 8 : i32
      %scan3A_55 = arith.addi %scan3A_53, %scan3A_54 : i32
      %scan3A_56 = arith.constant 1 : i32
      scf.for %scan3A_84 = %scan3A_53 to %scan3A_55 step %scan3A_56  : i32 {
        %mul3A_85 = arith.constant 2 : i32
        %mul3A_86 = arith.muli %scan3A_84, %mul3A_85 : i32
        %add3A_87 = arith.constant 0 : i32
        %add3A_88 = arith.addi %mul3A_86, %add3A_87 : i32
        %gt3A = arith.constant 0 : i32
        %gt3A_89 = arith.cmpi sgt, %scan3A_84, %gt3A : i32
        %gt3A_90 = arith.constant 0 : i32
        %gt3A_91 = arith.cmpi sgt, %scan3A_32, %gt3A_90 : i32
        %or3A = arith.ori %gt3A_89, %gt3A_91 : i1
        %convert_element_type3A = arith.extui %or3A : i1 to i32
        %cond3A = arith.constant 0 : i32
        %cond3A_92 = arith.cmpi ne, %convert_element_type3A, %cond3A : i32
        scf.if %cond3A_92 {
          %dma_wait3A_130 = arith.constant 0 : i32
          %dma_wait3A_131 = arith.constant 0 : i32
          %dma_wait3A_132 = arith.constant 0 : i32
          %dma_wait3A_133 = tpu.memref_slice %arg4[%dma_wait3A_130, %dma_wait3A_131, %dma_wait3A_132] : memref<1024x128x4096xf32, #tpu.memory_space<hbm>> -> memref<1x8x4096xf32, #tpu.memory_space<hbm>>
          %dma_wait3A_134 = tpu.memref_squeeze %dma_wait3A_133 : memref<1x8x4096xf32, #tpu.memory_space<hbm>> -> memref<8x4096xf32, #tpu.memory_space<hbm>>
          %dma_wait3A_135 = arith.constant 0 : i32
          %dma_wait3A_136 = arith.constant 0 : i32
          %dma_wait3A_137 = tpu.memref_slice %arg4[%dma_wait3A_130, %dma_wait3A_135, %dma_wait3A_136] : memref<1024x128x4096xf32, #tpu.memory_space<hbm>> -> memref<1x8x4096xf32, #tpu.memory_space<hbm>>
          %dma_wait3A_138 = tpu.memref_squeeze %dma_wait3A_137 : memref<1x8x4096xf32, #tpu.memory_space<hbm>> -> memref<8x4096xf32, #tpu.memory_space<hbm>>
          tpu.wait_dma2 semaphore(%arg10 : memref<!tpu.dma_semaphore, #tpu.memory_space<semaphore_mem>>) src(%arg8 : memref<8x4096xf32, #tpu.memory_space<vmem>>) dst(%dma_wait3A_138 : memref<8x4096xf32, #tpu.memory_space<hbm>>)
        } else {
        }
        %mul3A_93 = arith.constant 64 : i32
        %mul3A_94 = arith.muli %add3A_88, %mul3A_93 : i32
        %parallel_loop3A = arith.constant 0 : i32
        %parallel_loop3A_95 = arith.constant 256 : i32
        %parallel_loop3A_96 = arith.constant 1 : i32
        scf.for %parallel_loop3A_130 = %parallel_loop3A to %parallel_loop3A_95 step %parallel_loop3A_96  : i32 {
          %parallel_loop3A_131 = arith.constant 16 : i32
          %parallel_loop3A_132 = arith.muli %parallel_loop3A_130, %parallel_loop3A_131 : i32
          %parallel_loop3A_133 = arith.index_cast %parallel_loop3A_132 : i32 to index
          %parallel_loop3A_134 = tpu.vector_load %arg6[%parallel_loop3A_133] {strides = array<i32>} : memref<4096xi32, #tpu.memory_space<vmem>>, vector<16xi32>,
          %parallel_loop3A_135 = arith.constant 0 : i32
          %parallel_loop3A_136 = arith.addi %mul3A_94, %parallel_loop3A_135 : i32
          %parallel_loop3A_137 = vector.broadcast %parallel_loop3A_136 : i32 to vector<16xi32>
          %parallel_loop3A_138 = arith.addi %parallel_loop3A_134, %parallel_loop3A_137 : vector<16xi32>
          %parallel_loop3A_139 = tpu.vector_load_idx %arg5[%parallel_loop3A_138] : memref<1024xf32, #tpu.memory_space<vmem>>[vector<16xi32>], vector<16xf32>,
          %parallel_loop3A_140 = arith.constant 16 : i32
          %parallel_loop3A_141 = arith.muli %parallel_loop3A_130, %parallel_loop3A_140 : i32
          %parallel_loop3A_142 = arith.constant 0 : i32
          %parallel_loop3A_143 = arith.index_cast %parallel_loop3A_142 : i32 to index
          %parallel_loop3A_144 = arith.index_cast %parallel_loop3A_141 : i32 to index
          %parallel_loop3A_145 = tpu.vector_load %arg8[%parallel_loop3A_143, %parallel_loop3A_144] {strides = array<i32>} : memref<8x4096xf32, #tpu.memory_space<vmem>>, vector<16xf32>,
          tpu.vector_store %arg8[%parallel_loop3A_143, %parallel_loop3A_144], %parallel_loop3A_139 {strides = array<i32>} : memref<8x4096xf32, #tpu.memory_space<vmem>>, vector<16xf32>,
          %parallel_loop3A_146 = arith.constant 8 : i32
          %parallel_loop3A_147 = arith.addi %mul3A_94, %parallel_loop3A_146 : i32
          %parallel_loop3A_148 = vector.broadcast %parallel_loop3A_147 : i32 to vector<16xi32>
          %parallel_loop3A_149 = arith.addi %parallel_loop3A_134, %parallel_loop3A_148 : vector<16xi32>
          %parallel_loop3A_150 = tpu.vector_load_idx %arg5[%parallel_loop3A_149] : memref<1024xf32, #tpu.memory_space<vmem>>[vector<16xi32>], vector<16xf32>,
          %parallel_loop3A_151 = arith.constant 16 : i32
          %parallel_loop3A_152 = arith.muli %parallel_loop3A_130, %parallel_loop3A_151 : i32
          %parallel_loop3A_153 = arith.constant 1 : i32
          %parallel_loop3A_154 = arith.index_cast %parallel_loop3A_153 : i32 to index
          %parallel_loop3A_155 = arith.index_cast %parallel_loop3A_152 : i32 to index
          %parallel_loop3A_156 = tpu.vector_load %arg8[%parallel_loop3A_154, %parallel_loop3A_155] {strides = array<i32>} : memref<8x4096xf32, #tpu.memory_space<vmem>>, vector<16xf32>,
          tpu.vector_store %arg8[%parallel_loop3A_154, %parallel_loop3A_155], %parallel_loop3A_150 {strides = array<i32>} : memref<8x4096xf32, #tpu.memory_space<vmem>>, vector<16xf32>,
          %parallel_loop3A_157 = arith.constant 16 : i32
          %parallel_loop3A_158 = arith.addi %mul3A_94, %parallel_loop3A_157 : i32
          %parallel_loop3A_159 = vector.broadcast %parallel_loop3A_158 : i32 to vector<16xi32>
          %parallel_loop3A_160 = arith.addi %parallel_loop3A_134, %parallel_loop3A_159 : vector<16xi32>
          %parallel_loop3A_161 = tpu.vector_load_idx %arg5[%parallel_loop3A_160] : memref<1024xf32, #tpu.memory_space<vmem>>[vector<16xi32>], vector<16xf32>,
          %parallel_loop3A_162 = arith.constant 16 : i32
          %parallel_loop3A_163 = arith.muli %parallel_loop3A_130, %parallel_loop3A_162 : i32
          %parallel_loop3A_164 = arith.constant 2 : i32
          %parallel_loop3A_165 = arith.index_cast %parallel_loop3A_164 : i32 to index
          %parallel_loop3A_166 = arith.index_cast %parallel_loop3A_163 : i32 to index
          %parallel_loop3A_167 = tpu.vector_load %arg8[%parallel_loop3A_165, %parallel_loop3A_166] {strides = array<i32>} : memref<8x4096xf32, #tpu.memory_space<vmem>>, vector<16xf32>,
          tpu.vector_store %arg8[%parallel_loop3A_165, %parallel_loop3A_166], %parallel_loop3A_161 {strides = array<i32>} : memref<8x4096xf32, #tpu.memory_space<vmem>>, vector<16xf32>,
          %parallel_loop3A_168 = arith.constant 24 : i32
          %parallel_loop3A_169 = arith.addi %mul3A_94, %parallel_loop3A_168 : i32
          %parallel_loop3A_170 = vector.broadcast %parallel_loop3A_169 : i32 to vector<16xi32>
          %parallel_loop3A_171 = arith.addi %parallel_loop3A_134, %parallel_loop3A_170 : vector<16xi32>
          %parallel_loop3A_172 = tpu.vector_load_idx %arg5[%parallel_loop3A_171] : memref<1024xf32, #tpu.memory_space<vmem>>[vector<16xi32>], vector<16xf32>,
          %parallel_loop3A_173 = arith.constant 16 : i32
          %parallel_loop3A_174 = arith.muli %parallel_loop3A_130, %parallel_loop3A_173 : i32
          %parallel_loop3A_175 = arith.constant 3 : i32
          %parallel_loop3A_176 = arith.index_cast %parallel_loop3A_175 : i32 to index
          %parallel_loop3A_177 = arith.index_cast %parallel_loop3A_174 : i32 to index
          %parallel_loop3A_178 = tpu.vector_load %arg8[%parallel_loop3A_176, %parallel_loop3A_177] {strides = array<i32>} : memref<8x4096xf32, #tpu.memory_space<vmem>>, vector<16xf32>,
          tpu.vector_store %arg8[%parallel_loop3A_176, %parallel_loop3A_177], %parallel_loop3A_172 {strides = array<i32>} : memref<8x4096xf32, #tpu.memory_space<vmem>>, vector<16xf32>,
          %parallel_loop3A_179 = arith.constant 32 : i32
          %parallel_loop3A_180 = arith.addi %mul3A_94, %parallel_loop3A_179 : i32
          %parallel_loop3A_181 = vector.broadcast %parallel_loop3A_180 : i32 to vector<16xi32>
          %parallel_loop3A_182 = arith.addi %parallel_loop3A_134, %parallel_loop3A_181 : vector<16xi32>
          %parallel_loop3A_183 = tpu.vector_load_idx %arg5[%parallel_loop3A_182] : memref<1024xf32, #tpu.memory_space<vmem>>[vector<16xi32>], vector<16xf32>,
          %parallel_loop3A_184 = arith.constant 16 : i32
          %parallel_loop3A_185 = arith.muli %parallel_loop3A_130, %parallel_loop3A_184 : i32
          %parallel_loop3A_186 = arith.constant 4 : i32
          %parallel_loop3A_187 = arith.index_cast %parallel_loop3A_186 : i32 to index
          %parallel_loop3A_188 = arith.index_cast %parallel_loop3A_185 : i32 to index
          %parallel_loop3A_189 = tpu.vector_load %arg8[%parallel_loop3A_187, %parallel_loop3A_188] {strides = array<i32>} : memref<8x4096xf32, #tpu.memory_space<vmem>>, vector<16xf32>,
          tpu.vector_store %arg8[%parallel_loop3A_187, %parallel_loop3A_188], %parallel_loop3A_183 {strides = array<i32>} : memref<8x4096xf32, #tpu.memory_space<vmem>>, vector<16xf32>,
          %parallel_loop3A_190 = arith.constant 40 : i32
          %parallel_loop3A_191 = arith.addi %mul3A_94, %parallel_loop3A_190 : i32
          %parallel_loop3A_192 = vector.broadcast %parallel_loop3A_191 : i32 to vector<16xi32>
          %parallel_loop3A_193 = arith.addi %parallel_loop3A_134, %parallel_loop3A_192 : vector<16xi32>
          %parallel_loop3A_194 = tpu.vector_load_idx %arg5[%parallel_loop3A_193] : memref<1024xf32, #tpu.memory_space<vmem>>[vector<16xi32>], vector<16xf32>,
          %parallel_loop3A_195 = arith.constant 16 : i32
          %parallel_loop3A_196 = arith.muli %parallel_loop3A_130, %parallel_loop3A_195 : i32
          %parallel_loop3A_197 = arith.constant 5 : i32
          %parallel_loop3A_198 = arith.index_cast %parallel_loop3A_197 : i32 to index
          %parallel_loop3A_199 = arith.index_cast %parallel_loop3A_196 : i32 to index
          %parallel_loop3A_200 = tpu.vector_load %arg8[%parallel_loop3A_198, %parallel_loop3A_199] {strides = array<i32>} : memref<8x4096xf32, #tpu.memory_space<vmem>>, vector<16xf32>,
          tpu.vector_store %arg8[%parallel_loop3A_198, %parallel_loop3A_199], %parallel_loop3A_194 {strides = array<i32>} : memref<8x4096xf32, #tpu.memory_space<vmem>>, vector<16xf32>,
          %parallel_loop3A_201 = arith.constant 48 : i32
          %parallel_loop3A_202 = arith.addi %mul3A_94, %parallel_loop3A_201 : i32
          %parallel_loop3A_203 = vector.broadcast %parallel_loop3A_202 : i32 to vector<16xi32>
          %parallel_loop3A_204 = arith.addi %parallel_loop3A_134, %parallel_loop3A_203 : vector<16xi32>
          %parallel_loop3A_205 = tpu.vector_load_idx %arg5[%parallel_loop3A_204] : memref<1024xf32, #tpu.memory_space<vmem>>[vector<16xi32>], vector<16xf32>,
          %parallel_loop3A_206 = arith.constant 16 : i32
          %parallel_loop3A_207 = arith.muli %parallel_loop3A_130, %parallel_loop3A_206 : i32
          %parallel_loop3A_208 = arith.constant 6 : i32
          %parallel_loop3A_209 = arith.index_cast %parallel_loop3A_208 : i32 to index
          %parallel_loop3A_210 = arith.index_cast %parallel_loop3A_207 : i32 to index
          %parallel_loop3A_211 = tpu.vector_load %arg8[%parallel_loop3A_209, %parallel_loop3A_210] {strides = array<i32>} : memref<8x4096xf32, #tpu.memory_space<vmem>>, vector<16xf32>,
          tpu.vector_store %arg8[%parallel_loop3A_209, %parallel_loop3A_210], %parallel_loop3A_205 {strides = array<i32>} : memref<8x4096xf32, #tpu.memory_space<vmem>>, vector<16xf32>,
          %parallel_loop3A_212 = arith.constant 56 : i32
          %parallel_loop3A_213 = arith.addi %mul3A_94, %parallel_loop3A_212 : i32
          %parallel_loop3A_214 = vector.broadcast %parallel_loop3A_213 : i32 to vector<16xi32>
          %parallel_loop3A_215 = arith.addi %parallel_loop3A_134, %parallel_loop3A_214 : vector<16xi32>
          %parallel_loop3A_216 = tpu.vector_load_idx %arg5[%parallel_loop3A_215] : memref<1024xf32, #tpu.memory_space<vmem>>[vector<16xi32>], vector<16xf32>,
          %parallel_loop3A_217 = arith.constant 16 : i32
          %parallel_loop3A_218 = arith.muli %parallel_loop3A_130, %parallel_loop3A_217 : i32
          %parallel_loop3A_219 = arith.constant 7 : i32
          %parallel_loop3A_220 = arith.index_cast %parallel_loop3A_219 : i32 to index
          %parallel_loop3A_221 = arith.index_cast %parallel_loop3A_218 : i32 to index
          %parallel_loop3A_222 = tpu.vector_load %arg8[%parallel_loop3A_220, %parallel_loop3A_221] {strides = array<i32>} : memref<8x4096xf32, #tpu.memory_space<vmem>>, vector<16xf32>,
          tpu.vector_store %arg8[%parallel_loop3A_220, %parallel_loop3A_221], %parallel_loop3A_216 {strides = array<i32>} : memref<8x4096xf32, #tpu.memory_space<vmem>>, vector<16xf32>,
        } {sc.loop_unroll_factor = 2 : i64, sc.parallel_access}
        %mul3A_97 = arith.constant 8 : i32
        %mul3A_98 = arith.muli %add3A_88, %mul3A_97 : i32
        %dma_start3A_99 = arith.constant 0 : i32
        %dma_start3A_100 = tpu.memref_slice %arg4[%add3A_39, %mul3A_98, %dma_start3A_99] : memref<1024x128x4096xf32, #tpu.memory_space<hbm>> -> memref<1x8x4096xf32, #tpu.memory_space<hbm>>
        %dma_start3A_101 = tpu.memref_squeeze %dma_start3A_100 : memref<1x8x4096xf32, #tpu.memory_space<hbm>> -> memref<8x4096xf32, #tpu.memory_space<hbm>>
        %dma_start3A_102 = arith.constant 0 : i32
        %dma_start3A_103 = tpu.memref_slice %arg4[%add3A_39, %mul3A_98, %dma_start3A_102] : memref<1024x128x4096xf32, #tpu.memory_space<hbm>> -> memref<1x8x4096xf32, #tpu.memory_space<hbm>>
        %dma_start3A_104 = tpu.memref_squeeze %dma_start3A_103 : memref<1x8x4096xf32, #tpu.memory_space<hbm>> -> memref<8x4096xf32, #tpu.memory_space<hbm>>
        tpu.enqueue_dma source(%arg8 : memref<8x4096xf32, #tpu.memory_space<vmem>>) target(%dma_start3A_104 : memref<8x4096xf32, #tpu.memory_space<hbm>>) target_semaphore(%arg10 : memref<!tpu.dma_semaphore, #tpu.memory_space<semaphore_mem>>)
        %mul3A_105 = arith.constant 2 : i32
        %mul3A_106 = arith.muli %scan3A_84, %mul3A_105 : i32
        %add3A_107 = arith.constant 1 : i32
        %add3A_108 = arith.addi %mul3A_106, %add3A_107 : i32
        %gt3A_109 = arith.constant 0 : i32
        %gt3A_110 = arith.cmpi sgt, %scan3A_84, %gt3A_109 : i32
        %gt3A_111 = arith.constant 0 : i32
        %gt3A_112 = arith.cmpi sgt, %scan3A_32, %gt3A_111 : i32
        %or3A_113 = arith.ori %gt3A_110, %gt3A_112 : i1
        %convert_element_type3A_114 = arith.extui %or3A_113 : i1 to i32
        %cond3A_115 = arith.constant 0 : i32
        %cond3A_116 = arith.cmpi ne, %convert_element_type3A_114, %cond3A_115 : i32
        scf.if %cond3A_116 {
          %dma_wait3A_130 = arith.constant 0 : i32
          %dma_wait3A_131 = arith.constant 0 : i32
          %dma_wait3A_132 = arith.constant 0 : i32
          %dma_wait3A_133 = tpu.memref_slice %arg4[%dma_wait3A_130, %dma_wait3A_131, %dma_wait3A_132] : memref<1024x128x4096xf32, #tpu.memory_space<hbm>> -> memref<1x8x4096xf32, #tpu.memory_space<hbm>>
          %dma_wait3A_134 = tpu.memref_squeeze %dma_wait3A_133 : memref<1x8x4096xf32, #tpu.memory_space<hbm>> -> memref<8x4096xf32, #tpu.memory_space<hbm>>
          %dma_wait3A_135 = arith.constant 0 : i32
          %dma_wait3A_136 = arith.constant 0 : i32
          %dma_wait3A_137 = tpu.memref_slice %arg4[%dma_wait3A_130, %dma_wait3A_135, %dma_wait3A_136] : memref<1024x128x4096xf32, #tpu.memory_space<hbm>> -> memref<1x8x4096xf32, #tpu.memory_space<hbm>>
          %dma_wait3A_138 = tpu.memref_squeeze %dma_wait3A_137 : memref<1x8x4096xf32, #tpu.memory_space<hbm>> -> memref<8x4096xf32, #tpu.memory_space<hbm>>
          tpu.wait_dma2 semaphore(%arg11 : memref<!tpu.dma_semaphore, #tpu.memory_space<semaphore_mem>>) src(%arg9 : memref<8x4096xf32, #tpu.memory_space<vmem>>) dst(%dma_wait3A_138 : memref<8x4096xf32, #tpu.memory_space<hbm>>)
        } else {
        }
        %mul3A_117 = arith.constant 64 : i32
        %mul3A_118 = arith.muli %add3A_108, %mul3A_117 : i32
        %parallel_loop3A_119 = arith.constant 0 : i32
        %parallel_loop3A_120 = arith.constant 256 : i32
        %parallel_loop3A_121 = arith.constant 1 : i32
        scf.for %parallel_loop3A_130 = %parallel_loop3A_119 to %parallel_loop3A_120 step %parallel_loop3A_121  : i32 {
          %parallel_loop3A_131 = arith.constant 16 : i32
          %parallel_loop3A_132 = arith.muli %parallel_loop3A_130, %parallel_loop3A_131 : i32
          %parallel_loop3A_133 = arith.index_cast %parallel_loop3A_132 : i32 to index
          %parallel_loop3A_134 = tpu.vector_load %arg6[%parallel_loop3A_133] {strides = array<i32>} : memref<4096xi32, #tpu.memory_space<vmem>>, vector<16xi32>,
          %parallel_loop3A_135 = arith.constant 0 : i32
          %parallel_loop3A_136 = arith.addi %mul3A_118, %parallel_loop3A_135 : i32
          %parallel_loop3A_137 = vector.broadcast %parallel_loop3A_136 : i32 to vector<16xi32>
          %parallel_loop3A_138 = arith.addi %parallel_loop3A_134, %parallel_loop3A_137 : vector<16xi32>
          %parallel_loop3A_139 = tpu.vector_load_idx %arg5[%parallel_loop3A_138] : memref<1024xf32, #tpu.memory_space<vmem>>[vector<16xi32>], vector<16xf32>,
          %parallel_loop3A_140 = arith.constant 16 : i32
          %parallel_loop3A_141 = arith.muli %parallel_loop3A_130, %parallel_loop3A_140 : i32
          %parallel_loop3A_142 = arith.constant 0 : i32
          %parallel_loop3A_143 = arith.index_cast %parallel_loop3A_142 : i32 to index
          %parallel_loop3A_144 = arith.index_cast %parallel_loop3A_141 : i32 to index
          %parallel_loop3A_145 = tpu.vector_load %arg9[%parallel_loop3A_143, %parallel_loop3A_144] {strides = array<i32>} : memref<8x4096xf32, #tpu.memory_space<vmem>>, vector<16xf32>,
          tpu.vector_store %arg9[%parallel_loop3A_143, %parallel_loop3A_144], %parallel_loop3A_139 {strides = array<i32>} : memref<8x4096xf32, #tpu.memory_space<vmem>>, vector<16xf32>,
          %parallel_loop3A_146 = arith.constant 8 : i32
          %parallel_loop3A_147 = arith.addi %mul3A_118, %parallel_loop3A_146 : i32
          %parallel_loop3A_148 = vector.broadcast %parallel_loop3A_147 : i32 to vector<16xi32>
          %parallel_loop3A_149 = arith.addi %parallel_loop3A_134, %parallel_loop3A_148 : vector<16xi32>
          %parallel_loop3A_150 = tpu.vector_load_idx %arg5[%parallel_loop3A_149] : memref<1024xf32, #tpu.memory_space<vmem>>[vector<16xi32>], vector<16xf32>,
          %parallel_loop3A_151 = arith.constant 16 : i32
          %parallel_loop3A_152 = arith.muli %parallel_loop3A_130, %parallel_loop3A_151 : i32
          %parallel_loop3A_153 = arith.constant 1 : i32
          %parallel_loop3A_154 = arith.index_cast %parallel_loop3A_153 : i32 to index
          %parallel_loop3A_155 = arith.index_cast %parallel_loop3A_152 : i32 to index
          %parallel_loop3A_156 = tpu.vector_load %arg9[%parallel_loop3A_154, %parallel_loop3A_155] {strides = array<i32>} : memref<8x4096xf32, #tpu.memory_space<vmem>>, vector<16xf32>,
          tpu.vector_store %arg9[%parallel_loop3A_154, %parallel_loop3A_155], %parallel_loop3A_150 {strides = array<i32>} : memref<8x4096xf32, #tpu.memory_space<vmem>>, vector<16xf32>,
          %parallel_loop3A_157 = arith.constant 16 : i32
          %parallel_loop3A_158 = arith.addi %mul3A_118, %parallel_loop3A_157 : i32
          %parallel_loop3A_159 = vector.broadcast %parallel_loop3A_158 : i32 to vector<16xi32>
          %parallel_loop3A_160 = arith.addi %parallel_loop3A_134, %parallel_loop3A_159 : vector<16xi32>
          %parallel_loop3A_161 = tpu.vector_load_idx %arg5[%parallel_loop3A_160] : memref<1024xf32, #tpu.memory_space<vmem>>[vector<16xi32>], vector<16xf32>,
          %parallel_loop3A_162 = arith.constant 16 : i32
          %parallel_loop3A_163 = arith.muli %parallel_loop3A_130, %parallel_loop3A_162 : i32
          %parallel_loop3A_164 = arith.constant 2 : i32
          %parallel_loop3A_165 = arith.index_cast %parallel_loop3A_164 : i32 to index
          %parallel_loop3A_166 = arith.index_cast %parallel_loop3A_163 : i32 to index
          %parallel_loop3A_167 = tpu.vector_load %arg9[%parallel_loop3A_165, %parallel_loop3A_166] {strides = array<i32>} : memref<8x4096xf32, #tpu.memory_space<vmem>>, vector<16xf32>,
          tpu.vector_store %arg9[%parallel_loop3A_165, %parallel_loop3A_166], %parallel_loop3A_161 {strides = array<i32>} : memref<8x4096xf32, #tpu.memory_space<vmem>>, vector<16xf32>,
          %parallel_loop3A_168 = arith.constant 24 : i32
          %parallel_loop3A_169 = arith.addi %mul3A_118, %parallel_loop3A_168 : i32
          %parallel_loop3A_170 = vector.broadcast %parallel_loop3A_169 : i32 to vector<16xi32>
          %parallel_loop3A_171 = arith.addi %parallel_loop3A_134, %parallel_loop3A_170 : vector<16xi32>
          %parallel_loop3A_172 = tpu.vector_load_idx %arg5[%parallel_loop3A_171] : memref<1024xf32, #tpu.memory_space<vmem>>[vector<16xi32>], vector<16xf32>,
          %parallel_loop3A_173 = arith.constant 16 : i32
          %parallel_loop3A_174 = arith.muli %parallel_loop3A_130, %parallel_loop3A_173 : i32
          %parallel_loop3A_175 = arith.constant 3 : i32
          %parallel_loop3A_176 = arith.index_cast %parallel_loop3A_175 : i32 to index
          %parallel_loop3A_177 = arith.index_cast %parallel_loop3A_174 : i32 to index
          %parallel_loop3A_178 = tpu.vector_load %arg9[%parallel_loop3A_176, %parallel_loop3A_177] {strides = array<i32>} : memref<8x4096xf32, #tpu.memory_space<vmem>>, vector<16xf32>,
          tpu.vector_store %arg9[%parallel_loop3A_176, %parallel_loop3A_177], %parallel_loop3A_172 {strides = array<i32>} : memref<8x4096xf32, #tpu.memory_space<vmem>>, vector<16xf32>,
          %parallel_loop3A_179 = arith.constant 32 : i32
          %parallel_loop3A_180 = arith.addi %mul3A_118, %parallel_loop3A_179 : i32
          %parallel_loop3A_181 = vector.broadcast %parallel_loop3A_180 : i32 to vector<16xi32>
          %parallel_loop3A_182 = arith.addi %parallel_loop3A_134, %parallel_loop3A_181 : vector<16xi32>
          %parallel_loop3A_183 = tpu.vector_load_idx %arg5[%parallel_loop3A_182] : memref<1024xf32, #tpu.memory_space<vmem>>[vector<16xi32>], vector<16xf32>,
          %parallel_loop3A_184 = arith.constant 16 : i32
          %parallel_loop3A_185 = arith.muli %parallel_loop3A_130, %parallel_loop3A_184 : i32
          %parallel_loop3A_186 = arith.constant 4 : i32
          %parallel_loop3A_187 = arith.index_cast %parallel_loop3A_186 : i32 to index
          %parallel_loop3A_188 = arith.index_cast %parallel_loop3A_185 : i32 to index
          %parallel_loop3A_189 = tpu.vector_load %arg9[%parallel_loop3A_187, %parallel_loop3A_188] {strides = array<i32>} : memref<8x4096xf32, #tpu.memory_space<vmem>>, vector<16xf32>,
          tpu.vector_store %arg9[%parallel_loop3A_187, %parallel_loop3A_188], %parallel_loop3A_183 {strides = array<i32>} : memref<8x4096xf32, #tpu.memory_space<vmem>>, vector<16xf32>,
          %parallel_loop3A_190 = arith.constant 40 : i32
          %parallel_loop3A_191 = arith.addi %mul3A_118, %parallel_loop3A_190 : i32
          %parallel_loop3A_192 = vector.broadcast %parallel_loop3A_191 : i32 to vector<16xi32>
          %parallel_loop3A_193 = arith.addi %parallel_loop3A_134, %parallel_loop3A_192 : vector<16xi32>
          %parallel_loop3A_194 = tpu.vector_load_idx %arg5[%parallel_loop3A_193] : memref<1024xf32, #tpu.memory_space<vmem>>[vector<16xi32>], vector<16xf32>,
          %parallel_loop3A_195 = arith.constant 16 : i32
          %parallel_loop3A_196 = arith.muli %parallel_loop3A_130, %parallel_loop3A_195 : i32
          %parallel_loop3A_197 = arith.constant 5 : i32
          %parallel_loop3A_198 = arith.index_cast %parallel_loop3A_197 : i32 to index
          %parallel_loop3A_199 = arith.index_cast %parallel_loop3A_196 : i32 to index
          %parallel_loop3A_200 = tpu.vector_load %arg9[%parallel_loop3A_198, %parallel_loop3A_199] {strides = array<i32>} : memref<8x4096xf32, #tpu.memory_space<vmem>>, vector<16xf32>,
          tpu.vector_store %arg9[%parallel_loop3A_198, %parallel_loop3A_199], %parallel_loop3A_194 {strides = array<i32>} : memref<8x4096xf32, #tpu.memory_space<vmem>>, vector<16xf32>,
          %parallel_loop3A_201 = arith.constant 48 : i32
          %parallel_loop3A_202 = arith.addi %mul3A_118, %parallel_loop3A_201 : i32
          %parallel_loop3A_203 = vector.broadcast %parallel_loop3A_202 : i32 to vector<16xi32>
          %parallel_loop3A_204 = arith.addi %parallel_loop3A_134, %parallel_loop3A_203 : vector<16xi32>
          %parallel_loop3A_205 = tpu.vector_load_idx %arg5[%parallel_loop3A_204] : memref<1024xf32, #tpu.memory_space<vmem>>[vector<16xi32>], vector<16xf32>,
          %parallel_loop3A_206 = arith.constant 16 : i32
          %parallel_loop3A_207 = arith.muli %parallel_loop3A_130, %parallel_loop3A_206 : i32
          %parallel_loop3A_208 = arith.constant 6 : i32
          %parallel_loop3A_209 = arith.index_cast %parallel_loop3A_208 : i32 to index
          %parallel_loop3A_210 = arith.index_cast %parallel_loop3A_207 : i32 to index
          %parallel_loop3A_211 = tpu.vector_load %arg9[%parallel_loop3A_209, %parallel_loop3A_210] {strides = array<i32>} : memref<8x4096xf32, #tpu.memory_space<vmem>>, vector<16xf32>,
          tpu.vector_store %arg9[%parallel_loop3A_209, %parallel_loop3A_210], %parallel_loop3A_205 {strides = array<i32>} : memref<8x4096xf32, #tpu.memory_space<vmem>>, vector<16xf32>,
          %parallel_loop3A_212 = arith.constant 56 : i32
          %parallel_loop3A_213 = arith.addi %mul3A_118, %parallel_loop3A_212 : i32
          %parallel_loop3A_214 = vector.broadcast %parallel_loop3A_213 : i32 to vector<16xi32>
          %parallel_loop3A_215 = arith.addi %parallel_loop3A_134, %parallel_loop3A_214 : vector<16xi32>
          %parallel_loop3A_216 = tpu.vector_load_idx %arg5[%parallel_loop3A_215] : memref<1024xf32, #tpu.memory_space<vmem>>[vector<16xi32>], vector<16xf32>,
          %parallel_loop3A_217 = arith.constant 16 : i32
          %parallel_loop3A_218 = arith.muli %parallel_loop3A_130, %parallel_loop3A_217 : i32
          %parallel_loop3A_219 = arith.constant 7 : i32
          %parallel_loop3A_220 = arith.index_cast %parallel_loop3A_219 : i32 to index
          %parallel_loop3A_221 = arith.index_cast %parallel_loop3A_218 : i32 to index
          %parallel_loop3A_222 = tpu.vector_load %arg9[%parallel_loop3A_220, %parallel_loop3A_221] {strides = array<i32>} : memref<8x4096xf32, #tpu.memory_space<vmem>>, vector<16xf32>,
          tpu.vector_store %arg9[%parallel_loop3A_220, %parallel_loop3A_221], %parallel_loop3A_216 {strides = array<i32>} : memref<8x4096xf32, #tpu.memory_space<vmem>>, vector<16xf32>,
        } {sc.loop_unroll_factor = 2 : i64, sc.parallel_access}
        %mul3A_122 = arith.constant 8 : i32
        %mul3A_123 = arith.muli %add3A_108, %mul3A_122 : i32
        %dma_start3A_124 = arith.constant 0 : i32
        %dma_start3A_125 = tpu.memref_slice %arg4[%add3A_39, %mul3A_123, %dma_start3A_124] : memref<1024x128x4096xf32, #tpu.memory_space<hbm>> -> memref<1x8x4096xf32, #tpu.memory_space<hbm>>
        %dma_start3A_126 = tpu.memref_squeeze %dma_start3A_125 : memref<1x8x4096xf32, #tpu.memory_space<hbm>> -> memref<8x4096xf32, #tpu.memory_space<hbm>>
        %dma_start3A_127 = arith.constant 0 : i32
        %dma_start3A_128 = tpu.memref_slice %arg4[%add3A_39, %mul3A_123, %dma_start3A_127] : memref<1024x128x4096xf32, #tpu.memory_space<hbm>> -> memref<1x8x4096xf32, #tpu.memory_space<hbm>>
        %dma_start3A_129 = tpu.memref_squeeze %dma_start3A_128 : memref<1x8x4096xf32, #tpu.memory_space<hbm>> -> memref<8x4096xf32, #tpu.memory_space<hbm>>
        tpu.enqueue_dma source(%arg9 : memref<8x4096xf32, #tpu.memory_space<vmem>>) target(%dma_start3A_129 : memref<8x4096xf32, #tpu.memory_space<hbm>>) target_semaphore(%arg11 : memref<!tpu.dma_semaphore, #tpu.memory_space<semaphore_mem>>)
      }
      %scan3A_57 = arith.constant 8 : i32
      %mul3A_58 = arith.constant 2 : i32
      %mul3A_59 = arith.muli %scan3A_32, %mul3A_58 : i32
      %add3A_60 = arith.constant 1 : i32
      %add3A_61 = arith.addi %mul3A_59, %add3A_60 : i32
      %mul3A_62 = arith.constant 32 : i32
      %mul3A_63 = arith.muli %add3A_61, %mul3A_62 : i32
      %add3A_64 = arith.addi %mul3A_63, %add3A : i32
      %dma_wait3A_65 = arith.constant 0 : i32
      %dma_wait3A_66 = tpu.memref_slice %arg2[%dma_wait3A_65] : memref<4194304xi32, #tpu.memory_space<hbm>> -> memref<4096xi32, #tpu.memory_space<hbm>>
      %dma_wait3A_67 = arith.constant 0 : i32
      %dma_wait3A_68 = tpu.memref_slice %arg2[%dma_wait3A_67] : memref<4194304xi32, #tpu.memory_space<hbm>> -> memref<4096xi32, #tpu.memory_space<hbm>>
      tpu.wait_dma2 semaphore(%arg13 : memref<!tpu.dma_semaphore, #tpu.memory_space<semaphore_mem>>) src(%dma_wait3A_68 : memref<4096xi32, #tpu.memory_space<hbm>>) dst(%arg7 : memref<4096xi32, #tpu.memory_space<vmem>>)
      %add3A_69 = arith.constant 32 : i32
      %add3A_70 = arith.addi %add3A_64, %add3A_69 : i32
      %add3A_71 = arith.constant 992 : i32
      %add3A_72 = arith.addi %add3A_71, %add3A : i32
      %min3A_73 = arith.minsi %add3A_70, %add3A_72 : i32
      %mul3A_74 = arith.constant 4096 : i32
      %mul3A_75 = arith.muli %min3A_73, %mul3A_74 : i32
      %dma_start3A_76 = tpu.memref_slice %arg2[%mul3A_75] : memref<4194304xi32, #tpu.memory_space<hbm>> -> memref<4096xi32, #tpu.memory_space<hbm>>
      %dma_start3A_77 = tpu.memref_slice %arg2[%mul3A_75] : memref<4194304xi32, #tpu.memory_space<hbm>> -> memref<4096xi32, #tpu.memory_space<hbm>>
      tpu.enqueue_dma source(%dma_start3A_77 : memref<4096xi32, #tpu.memory_space<hbm>>) target(%arg6 : memref<4096xi32, #tpu.memory_space<vmem>>) target_semaphore(%arg12 : memref<!tpu.dma_semaphore, #tpu.memory_space<semaphore_mem>>)
      %scan3A_78 = arith.constant 0 : i32
      %scan3A_79 = arith.constant 0 : i32
      %scan3A_80 = arith.constant 8 : i32
      %scan3A_81 = arith.addi %scan3A_79, %scan3A_80 : i32
      %scan3A_82 = arith.constant 1 : i32
      scf.for %scan3A_84 = %scan3A_79 to %scan3A_81 step %scan3A_82  : i32 {
        %mul3A_85 = arith.constant 2 : i32
        %mul3A_86 = arith.muli %scan3A_84, %mul3A_85 : i32
        %add3A_87 = arith.constant 0 : i32
        %add3A_88 = arith.addi %mul3A_86, %add3A_87 : i32
        %ge3A = arith.constant 0 : i32
        %ge3A_89 = arith.cmpi sge, %scan3A_84, %ge3A : i32
        %convert_element_type3A = arith.extui %ge3A_89 : i1 to i32
        %cond3A = arith.constant 0 : i32
        %cond3A_90 = arith.cmpi ne, %convert_element_type3A, %cond3A : i32
        scf.if %cond3A_90 {
          %dma_wait3A_125 = arith.constant 0 : i32
          %dma_wait3A_126 = arith.constant 0 : i32
          %dma_wait3A_127 = arith.constant 0 : i32
          %dma_wait3A_128 = tpu.memref_slice %arg4[%dma_wait3A_125, %dma_wait3A_126, %dma_wait3A_127] : memref<1024x128x4096xf32, #tpu.memory_space<hbm>> -> memref<1x8x4096xf32, #tpu.memory_space<hbm>>
          %dma_wait3A_129 = tpu.memref_squeeze %dma_wait3A_128 : memref<1x8x4096xf32, #tpu.memory_space<hbm>> -> memref<8x4096xf32, #tpu.memory_space<hbm>>
          %dma_wait3A_130 = arith.constant 0 : i32
          %dma_wait3A_131 = arith.constant 0 : i32
          %dma_wait3A_132 = tpu.memref_slice %arg4[%dma_wait3A_125, %dma_wait3A_130, %dma_wait3A_131] : memref<1024x128x4096xf32, #tpu.memory_space<hbm>> -> memref<1x8x4096xf32, #tpu.memory_space<hbm>>
          %dma_wait3A_133 = tpu.memref_squeeze %dma_wait3A_132 : memref<1x8x4096xf32, #tpu.memory_space<hbm>> -> memref<8x4096xf32, #tpu.memory_space<hbm>>
          tpu.wait_dma2 semaphore(%arg10 : memref<!tpu.dma_semaphore, #tpu.memory_space<semaphore_mem>>) src(%arg8 : memref<8x4096xf32, #tpu.memory_space<vmem>>) dst(%dma_wait3A_133 : memref<8x4096xf32, #tpu.memory_space<hbm>>)
        } else {
        }
        %mul3A_91 = arith.constant 64 : i32
        %mul3A_92 = arith.muli %add3A_88, %mul3A_91 : i32
        %parallel_loop3A = arith.constant 0 : i32
        %parallel_loop3A_93 = arith.constant 256 : i32
        %parallel_loop3A_94 = arith.constant 1 : i32
        scf.for %parallel_loop3A_125 = %parallel_loop3A to %parallel_loop3A_93 step %parallel_loop3A_94  : i32 {
          %parallel_loop3A_126 = arith.constant 16 : i32
          %parallel_loop3A_127 = arith.muli %parallel_loop3A_125, %parallel_loop3A_126 : i32
          %parallel_loop3A_128 = arith.index_cast %parallel_loop3A_127 : i32 to index
          %parallel_loop3A_129 = tpu.vector_load %arg7[%parallel_loop3A_128] {strides = array<i32>} : memref<4096xi32, #tpu.memory_space<vmem>>, vector<16xi32>,
          %parallel_loop3A_130 = arith.constant 0 : i32
          %parallel_loop3A_131 = arith.addi %mul3A_92, %parallel_loop3A_130 : i32
          %parallel_loop3A_132 = vector.broadcast %parallel_loop3A_131 : i32 to vector<16xi32>
          %parallel_loop3A_133 = arith.addi %parallel_loop3A_129, %parallel_loop3A_132 : vector<16xi32>
          %parallel_loop3A_134 = tpu.vector_load_idx %arg5[%parallel_loop3A_133] : memref<1024xf32, #tpu.memory_space<vmem>>[vector<16xi32>], vector<16xf32>,
          %parallel_loop3A_135 = arith.constant 16 : i32
          %parallel_loop3A_136 = arith.muli %parallel_loop3A_125, %parallel_loop3A_135 : i32
          %parallel_loop3A_137 = arith.constant 0 : i32
          %parallel_loop3A_138 = arith.index_cast %parallel_loop3A_137 : i32 to index
          %parallel_loop3A_139 = arith.index_cast %parallel_loop3A_136 : i32 to index
          %parallel_loop3A_140 = tpu.vector_load %arg8[%parallel_loop3A_138, %parallel_loop3A_139] {strides = array<i32>} : memref<8x4096xf32, #tpu.memory_space<vmem>>, vector<16xf32>,
          tpu.vector_store %arg8[%parallel_loop3A_138, %parallel_loop3A_139], %parallel_loop3A_134 {strides = array<i32>} : memref<8x4096xf32, #tpu.memory_space<vmem>>, vector<16xf32>,
          %parallel_loop3A_141 = arith.constant 8 : i32
          %parallel_loop3A_142 = arith.addi %mul3A_92, %parallel_loop3A_141 : i32
          %parallel_loop3A_143 = vector.broadcast %parallel_loop3A_142 : i32 to vector<16xi32>
          %parallel_loop3A_144 = arith.addi %parallel_loop3A_129, %parallel_loop3A_143 : vector<16xi32>
          %parallel_loop3A_145 = tpu.vector_load_idx %arg5[%parallel_loop3A_144] : memref<1024xf32, #tpu.memory_space<vmem>>[vector<16xi32>], vector<16xf32>,
          %parallel_loop3A_146 = arith.constant 16 : i32
          %parallel_loop3A_147 = arith.muli %parallel_loop3A_125, %parallel_loop3A_146 : i32
          %parallel_loop3A_148 = arith.constant 1 : i32
          %parallel_loop3A_149 = arith.index_cast %parallel_loop3A_148 : i32 to index
          %parallel_loop3A_150 = arith.index_cast %parallel_loop3A_147 : i32 to index
          %parallel_loop3A_151 = tpu.vector_load %arg8[%parallel_loop3A_149, %parallel_loop3A_150] {strides = array<i32>} : memref<8x4096xf32, #tpu.memory_space<vmem>>, vector<16xf32>,
          tpu.vector_store %arg8[%parallel_loop3A_149, %parallel_loop3A_150], %parallel_loop3A_145 {strides = array<i32>} : memref<8x4096xf32, #tpu.memory_space<vmem>>, vector<16xf32>,
          %parallel_loop3A_152 = arith.constant 16 : i32
          %parallel_loop3A_153 = arith.addi %mul3A_92, %parallel_loop3A_152 : i32
          %parallel_loop3A_154 = vector.broadcast %parallel_loop3A_153 : i32 to vector<16xi32>
          %parallel_loop3A_155 = arith.addi %parallel_loop3A_129, %parallel_loop3A_154 : vector<16xi32>
          %parallel_loop3A_156 = tpu.vector_load_idx %arg5[%parallel_loop3A_155] : memref<1024xf32, #tpu.memory_space<vmem>>[vector<16xi32>], vector<16xf32>,
          %parallel_loop3A_157 = arith.constant 16 : i32
          %parallel_loop3A_158 = arith.muli %parallel_loop3A_125, %parallel_loop3A_157 : i32
          %parallel_loop3A_159 = arith.constant 2 : i32
          %parallel_loop3A_160 = arith.index_cast %parallel_loop3A_159 : i32 to index
          %parallel_loop3A_161 = arith.index_cast %parallel_loop3A_158 : i32 to index
          %parallel_loop3A_162 = tpu.vector_load %arg8[%parallel_loop3A_160, %parallel_loop3A_161] {strides = array<i32>} : memref<8x4096xf32, #tpu.memory_space<vmem>>, vector<16xf32>,
          tpu.vector_store %arg8[%parallel_loop3A_160, %parallel_loop3A_161], %parallel_loop3A_156 {strides = array<i32>} : memref<8x4096xf32, #tpu.memory_space<vmem>>, vector<16xf32>,
          %parallel_loop3A_163 = arith.constant 24 : i32
          %parallel_loop3A_164 = arith.addi %mul3A_92, %parallel_loop3A_163 : i32
          %parallel_loop3A_165 = vector.broadcast %parallel_loop3A_164 : i32 to vector<16xi32>
          %parallel_loop3A_166 = arith.addi %parallel_loop3A_129, %parallel_loop3A_165 : vector<16xi32>
          %parallel_loop3A_167 = tpu.vector_load_idx %arg5[%parallel_loop3A_166] : memref<1024xf32, #tpu.memory_space<vmem>>[vector<16xi32>], vector<16xf32>,
          %parallel_loop3A_168 = arith.constant 16 : i32
          %parallel_loop3A_169 = arith.muli %parallel_loop3A_125, %parallel_loop3A_168 : i32
          %parallel_loop3A_170 = arith.constant 3 : i32
          %parallel_loop3A_171 = arith.index_cast %parallel_loop3A_170 : i32 to index
          %parallel_loop3A_172 = arith.index_cast %parallel_loop3A_169 : i32 to index
          %parallel_loop3A_173 = tpu.vector_load %arg8[%parallel_loop3A_171, %parallel_loop3A_172] {strides = array<i32>} : memref<8x4096xf32, #tpu.memory_space<vmem>>, vector<16xf32>,
          tpu.vector_store %arg8[%parallel_loop3A_171, %parallel_loop3A_172], %parallel_loop3A_167 {strides = array<i32>} : memref<8x4096xf32, #tpu.memory_space<vmem>>, vector<16xf32>,
          %parallel_loop3A_174 = arith.constant 32 : i32
          %parallel_loop3A_175 = arith.addi %mul3A_92, %parallel_loop3A_174 : i32
          %parallel_loop3A_176 = vector.broadcast %parallel_loop3A_175 : i32 to vector<16xi32>
          %parallel_loop3A_177 = arith.addi %parallel_loop3A_129, %parallel_loop3A_176 : vector<16xi32>
          %parallel_loop3A_178 = tpu.vector_load_idx %arg5[%parallel_loop3A_177] : memref<1024xf32, #tpu.memory_space<vmem>>[vector<16xi32>], vector<16xf32>,
          %parallel_loop3A_179 = arith.constant 16 : i32
          %parallel_loop3A_180 = arith.muli %parallel_loop3A_125, %parallel_loop3A_179 : i32
          %parallel_loop3A_181 = arith.constant 4 : i32
          %parallel_loop3A_182 = arith.index_cast %parallel_loop3A_181 : i32 to index
          %parallel_loop3A_183 = arith.index_cast %parallel_loop3A_180 : i32 to index
          %parallel_loop3A_184 = tpu.vector_load %arg8[%parallel_loop3A_182, %parallel_loop3A_183] {strides = array<i32>} : memref<8x4096xf32, #tpu.memory_space<vmem>>, vector<16xf32>,
          tpu.vector_store %arg8[%parallel_loop3A_182, %parallel_loop3A_183], %parallel_loop3A_178 {strides = array<i32>} : memref<8x4096xf32, #tpu.memory_space<vmem>>, vector<16xf32>,
          %parallel_loop3A_185 = arith.constant 40 : i32
          %parallel_loop3A_186 = arith.addi %mul3A_92, %parallel_loop3A_185 : i32
          %parallel_loop3A_187 = vector.broadcast %parallel_loop3A_186 : i32 to vector<16xi32>
          %parallel_loop3A_188 = arith.addi %parallel_loop3A_129, %parallel_loop3A_187 : vector<16xi32>
          %parallel_loop3A_189 = tpu.vector_load_idx %arg5[%parallel_loop3A_188] : memref<1024xf32, #tpu.memory_space<vmem>>[vector<16xi32>], vector<16xf32>,
          %parallel_loop3A_190 = arith.constant 16 : i32
          %parallel_loop3A_191 = arith.muli %parallel_loop3A_125, %parallel_loop3A_190 : i32
          %parallel_loop3A_192 = arith.constant 5 : i32
          %parallel_loop3A_193 = arith.index_cast %parallel_loop3A_192 : i32 to index
          %parallel_loop3A_194 = arith.index_cast %parallel_loop3A_191 : i32 to index
          %parallel_loop3A_195 = tpu.vector_load %arg8[%parallel_loop3A_193, %parallel_loop3A_194] {strides = array<i32>} : memref<8x4096xf32, #tpu.memory_space<vmem>>, vector<16xf32>,
          tpu.vector_store %arg8[%parallel_loop3A_193, %parallel_loop3A_194], %parallel_loop3A_189 {strides = array<i32>} : memref<8x4096xf32, #tpu.memory_space<vmem>>, vector<16xf32>,
          %parallel_loop3A_196 = arith.constant 48 : i32
          %parallel_loop3A_197 = arith.addi %mul3A_92, %parallel_loop3A_196 : i32
          %parallel_loop3A_198 = vector.broadcast %parallel_loop3A_197 : i32 to vector<16xi32>
          %parallel_loop3A_199 = arith.addi %parallel_loop3A_129, %parallel_loop3A_198 : vector<16xi32>
          %parallel_loop3A_200 = tpu.vector_load_idx %arg5[%parallel_loop3A_199] : memref<1024xf32, #tpu.memory_space<vmem>>[vector<16xi32>], vector<16xf32>,
          %parallel_loop3A_201 = arith.constant 16 : i32
          %parallel_loop3A_202 = arith.muli %parallel_loop3A_125, %parallel_loop3A_201 : i32
          %parallel_loop3A_203 = arith.constant 6 : i32
          %parallel_loop3A_204 = arith.index_cast %parallel_loop3A_203 : i32 to index
          %parallel_loop3A_205 = arith.index_cast %parallel_loop3A_202 : i32 to index
          %parallel_loop3A_206 = tpu.vector_load %arg8[%parallel_loop3A_204, %parallel_loop3A_205] {strides = array<i32>} : memref<8x4096xf32, #tpu.memory_space<vmem>>, vector<16xf32>,
          tpu.vector_store %arg8[%parallel_loop3A_204, %parallel_loop3A_205], %parallel_loop3A_200 {strides = array<i32>} : memref<8x4096xf32, #tpu.memory_space<vmem>>, vector<16xf32>,
          %parallel_loop3A_207 = arith.constant 56 : i32
          %parallel_loop3A_208 = arith.addi %mul3A_92, %parallel_loop3A_207 : i32
          %parallel_loop3A_209 = vector.broadcast %parallel_loop3A_208 : i32 to vector<16xi32>
          %parallel_loop3A_210 = arith.addi %parallel_loop3A_129, %parallel_loop3A_209 : vector<16xi32>
          %parallel_loop3A_211 = tpu.vector_load_idx %arg5[%parallel_loop3A_210] : memref<1024xf32, #tpu.memory_space<vmem>>[vector<16xi32>], vector<16xf32>,
          %parallel_loop3A_212 = arith.constant 16 : i32
          %parallel_loop3A_213 = arith.muli %parallel_loop3A_125, %parallel_loop3A_212 : i32
          %parallel_loop3A_214 = arith.constant 7 : i32
          %parallel_loop3A_215 = arith.index_cast %parallel_loop3A_214 : i32 to index
          %parallel_loop3A_216 = arith.index_cast %parallel_loop3A_213 : i32 to index
          %parallel_loop3A_217 = tpu.vector_load %arg8[%parallel_loop3A_215, %parallel_loop3A_216] {strides = array<i32>} : memref<8x4096xf32, #tpu.memory_space<vmem>>, vector<16xf32>,
          tpu.vector_store %arg8[%parallel_loop3A_215, %parallel_loop3A_216], %parallel_loop3A_211 {strides = array<i32>} : memref<8x4096xf32, #tpu.memory_space<vmem>>, vector<16xf32>,
        } {sc.loop_unroll_factor = 2 : i64, sc.parallel_access}
        %mul3A_95 = arith.constant 8 : i32
        %mul3A_96 = arith.muli %add3A_88, %mul3A_95 : i32
        %dma_start3A_97 = arith.constant 0 : i32
        %dma_start3A_98 = tpu.memref_slice %arg4[%add3A_64, %mul3A_96, %dma_start3A_97] : memref<1024x128x4096xf32, #tpu.memory_space<hbm>> -> memref<1x8x4096xf32, #tpu.memory_space<hbm>>
        %dma_start3A_99 = tpu.memref_squeeze %dma_start3A_98 : memref<1x8x4096xf32, #tpu.memory_space<hbm>> -> memref<8x4096xf32, #tpu.memory_space<hbm>>
        %dma_start3A_100 = arith.constant 0 : i32
        %dma_start3A_101 = tpu.memref_slice %arg4[%add3A_64, %mul3A_96, %dma_start3A_100] : memref<1024x128x4096xf32, #tpu.memory_space<hbm>> -> memref<1x8x4096xf32, #tpu.memory_space<hbm>>
        %dma_start3A_102 = tpu.memref_squeeze %dma_start3A_101 : memref<1x8x4096xf32, #tpu.memory_space<hbm>> -> memref<8x4096xf32, #tpu.memory_space<hbm>>
        tpu.enqueue_dma source(%arg8 : memref<8x4096xf32, #tpu.memory_space<vmem>>) target(%dma_start3A_102 : memref<8x4096xf32, #tpu.memory_space<hbm>>) target_semaphore(%arg10 : memref<!tpu.dma_semaphore, #tpu.memory_space<semaphore_mem>>)
        %mul3A_103 = arith.constant 2 : i32
        %mul3A_104 = arith.muli %scan3A_84, %mul3A_103 : i32
        %add3A_105 = arith.constant 1 : i32
        %add3A_106 = arith.addi %mul3A_104, %add3A_105 : i32
        %ge3A_107 = arith.constant 0 : i32
        %ge3A_108 = arith.cmpi sge, %scan3A_84, %ge3A_107 : i32
        %convert_element_type3A_109 = arith.extui %ge3A_108 : i1 to i32
        %cond3A_110 = arith.constant 0 : i32
        %cond3A_111 = arith.cmpi ne, %convert_element_type3A_109, %cond3A_110 : i32
        scf.if %cond3A_111 {
          %dma_wait3A_125 = arith.constant 0 : i32
          %dma_wait3A_126 = arith.constant 0 : i32
          %dma_wait3A_127 = arith.constant 0 : i32
          %dma_wait3A_128 = tpu.memref_slice %arg4[%dma_wait3A_125, %dma_wait3A_126, %dma_wait3A_127] : memref<1024x128x4096xf32, #tpu.memory_space<hbm>> -> memref<1x8x4096xf32, #tpu.memory_space<hbm>>
          %dma_wait3A_129 = tpu.memref_squeeze %dma_wait3A_128 : memref<1x8x4096xf32, #tpu.memory_space<hbm>> -> memref<8x4096xf32, #tpu.memory_space<hbm>>
          %dma_wait3A_130 = arith.constant 0 : i32
          %dma_wait3A_131 = arith.constant 0 : i32
          %dma_wait3A_132 = tpu.memref_slice %arg4[%dma_wait3A_125, %dma_wait3A_130, %dma_wait3A_131] : memref<1024x128x4096xf32, #tpu.memory_space<hbm>> -> memref<1x8x4096xf32, #tpu.memory_space<hbm>>
          %dma_wait3A_133 = tpu.memref_squeeze %dma_wait3A_132 : memref<1x8x4096xf32, #tpu.memory_space<hbm>> -> memref<8x4096xf32, #tpu.memory_space<hbm>>
          tpu.wait_dma2 semaphore(%arg11 : memref<!tpu.dma_semaphore, #tpu.memory_space<semaphore_mem>>) src(%arg9 : memref<8x4096xf32, #tpu.memory_space<vmem>>) dst(%dma_wait3A_133 : memref<8x4096xf32, #tpu.memory_space<hbm>>)
        } else {
        }
        %mul3A_112 = arith.constant 64 : i32
        %mul3A_113 = arith.muli %add3A_106, %mul3A_112 : i32
        %parallel_loop3A_114 = arith.constant 0 : i32
        %parallel_loop3A_115 = arith.constant 256 : i32
        %parallel_loop3A_116 = arith.constant 1 : i32
        scf.for %parallel_loop3A_125 = %parallel_loop3A_114 to %parallel_loop3A_115 step %parallel_loop3A_116  : i32 {
          %parallel_loop3A_126 = arith.constant 16 : i32
          %parallel_loop3A_127 = arith.muli %parallel_loop3A_125, %parallel_loop3A_126 : i32
          %parallel_loop3A_128 = arith.index_cast %parallel_loop3A_127 : i32 to index
          %parallel_loop3A_129 = tpu.vector_load %arg7[%parallel_loop3A_128] {strides = array<i32>} : memref<4096xi32, #tpu.memory_space<vmem>>, vector<16xi32>,
          %parallel_loop3A_130 = arith.constant 0 : i32
          %parallel_loop3A_131 = arith.addi %mul3A_113, %parallel_loop3A_130 : i32
          %parallel_loop3A_132 = vector.broadcast %parallel_loop3A_131 : i32 to vector<16xi32>
          %parallel_loop3A_133 = arith.addi %parallel_loop3A_129, %parallel_loop3A_132 : vector<16xi32>
          %parallel_loop3A_134 = tpu.vector_load_idx %arg5[%parallel_loop3A_133] : memref<1024xf32, #tpu.memory_space<vmem>>[vector<16xi32>], vector<16xf32>,
          %parallel_loop3A_135 = arith.constant 16 : i32
          %parallel_loop3A_136 = arith.muli %parallel_loop3A_125, %parallel_loop3A_135 : i32
          %parallel_loop3A_137 = arith.constant 0 : i32
          %parallel_loop3A_138 = arith.index_cast %parallel_loop3A_137 : i32 to index
          %parallel_loop3A_139 = arith.index_cast %parallel_loop3A_136 : i32 to index
          %parallel_loop3A_140 = tpu.vector_load %arg9[%parallel_loop3A_138, %parallel_loop3A_139] {strides = array<i32>} : memref<8x4096xf32, #tpu.memory_space<vmem>>, vector<16xf32>,
          tpu.vector_store %arg9[%parallel_loop3A_138, %parallel_loop3A_139], %parallel_loop3A_134 {strides = array<i32>} : memref<8x4096xf32, #tpu.memory_space<vmem>>, vector<16xf32>,
          %parallel_loop3A_141 = arith.constant 8 : i32
          %parallel_loop3A_142 = arith.addi %mul3A_113, %parallel_loop3A_141 : i32
          %parallel_loop3A_143 = vector.broadcast %parallel_loop3A_142 : i32 to vector<16xi32>
          %parallel_loop3A_144 = arith.addi %parallel_loop3A_129, %parallel_loop3A_143 : vector<16xi32>
          %parallel_loop3A_145 = tpu.vector_load_idx %arg5[%parallel_loop3A_144] : memref<1024xf32, #tpu.memory_space<vmem>>[vector<16xi32>], vector<16xf32>,
          %parallel_loop3A_146 = arith.constant 16 : i32
          %parallel_loop3A_147 = arith.muli %parallel_loop3A_125, %parallel_loop3A_146 : i32
          %parallel_loop3A_148 = arith.constant 1 : i32
          %parallel_loop3A_149 = arith.index_cast %parallel_loop3A_148 : i32 to index
          %parallel_loop3A_150 = arith.index_cast %parallel_loop3A_147 : i32 to index
          %parallel_loop3A_151 = tpu.vector_load %arg9[%parallel_loop3A_149, %parallel_loop3A_150] {strides = array<i32>} : memref<8x4096xf32, #tpu.memory_space<vmem>>, vector<16xf32>,
          tpu.vector_store %arg9[%parallel_loop3A_149, %parallel_loop3A_150], %parallel_loop3A_145 {strides = array<i32>} : memref<8x4096xf32, #tpu.memory_space<vmem>>, vector<16xf32>,
          %parallel_loop3A_152 = arith.constant 16 : i32
          %parallel_loop3A_153 = arith.addi %mul3A_113, %parallel_loop3A_152 : i32
          %parallel_loop3A_154 = vector.broadcast %parallel_loop3A_153 : i32 to vector<16xi32>
          %parallel_loop3A_155 = arith.addi %parallel_loop3A_129, %parallel_loop3A_154 : vector<16xi32>
          %parallel_loop3A_156 = tpu.vector_load_idx %arg5[%parallel_loop3A_155] : memref<1024xf32, #tpu.memory_space<vmem>>[vector<16xi32>], vector<16xf32>,
          %parallel_loop3A_157 = arith.constant 16 : i32
          %parallel_loop3A_158 = arith.muli %parallel_loop3A_125, %parallel_loop3A_157 : i32
          %parallel_loop3A_159 = arith.constant 2 : i32
          %parallel_loop3A_160 = arith.index_cast %parallel_loop3A_159 : i32 to index
          %parallel_loop3A_161 = arith.index_cast %parallel_loop3A_158 : i32 to index
          %parallel_loop3A_162 = tpu.vector_load %arg9[%parallel_loop3A_160, %parallel_loop3A_161] {strides = array<i32>} : memref<8x4096xf32, #tpu.memory_space<vmem>>, vector<16xf32>,
          tpu.vector_store %arg9[%parallel_loop3A_160, %parallel_loop3A_161], %parallel_loop3A_156 {strides = array<i32>} : memref<8x4096xf32, #tpu.memory_space<vmem>>, vector<16xf32>,
          %parallel_loop3A_163 = arith.constant 24 : i32
          %parallel_loop3A_164 = arith.addi %mul3A_113, %parallel_loop3A_163 : i32
          %parallel_loop3A_165 = vector.broadcast %parallel_loop3A_164 : i32 to vector<16xi32>
          %parallel_loop3A_166 = arith.addi %parallel_loop3A_129, %parallel_loop3A_165 : vector<16xi32>
          %parallel_loop3A_167 = tpu.vector_load_idx %arg5[%parallel_loop3A_166] : memref<1024xf32, #tpu.memory_space<vmem>>[vector<16xi32>], vector<16xf32>,
          %parallel_loop3A_168 = arith.constant 16 : i32
          %parallel_loop3A_169 = arith.muli %parallel_loop3A_125, %parallel_loop3A_168 : i32
          %parallel_loop3A_170 = arith.constant 3 : i32
          %parallel_loop3A_171 = arith.index_cast %parallel_loop3A_170 : i32 to index
          %parallel_loop3A_172 = arith.index_cast %parallel_loop3A_169 : i32 to index
          %parallel_loop3A_173 = tpu.vector_load %arg9[%parallel_loop3A_171, %parallel_loop3A_172] {strides = array<i32>} : memref<8x4096xf32, #tpu.memory_space<vmem>>, vector<16xf32>,
          tpu.vector_store %arg9[%parallel_loop3A_171, %parallel_loop3A_172], %parallel_loop3A_167 {strides = array<i32>} : memref<8x4096xf32, #tpu.memory_space<vmem>>, vector<16xf32>,
          %parallel_loop3A_174 = arith.constant 32 : i32
          %parallel_loop3A_175 = arith.addi %mul3A_113, %parallel_loop3A_174 : i32
          %parallel_loop3A_176 = vector.broadcast %parallel_loop3A_175 : i32 to vector<16xi32>
          %parallel_loop3A_177 = arith.addi %parallel_loop3A_129, %parallel_loop3A_176 : vector<16xi32>
          %parallel_loop3A_178 = tpu.vector_load_idx %arg5[%parallel_loop3A_177] : memref<1024xf32, #tpu.memory_space<vmem>>[vector<16xi32>], vector<16xf32>,
          %parallel_loop3A_179 = arith.constant 16 : i32
          %parallel_loop3A_180 = arith.muli %parallel_loop3A_125, %parallel_loop3A_179 : i32
          %parallel_loop3A_181 = arith.constant 4 : i32
          %parallel_loop3A_182 = arith.index_cast %parallel_loop3A_181 : i32 to index
          %parallel_loop3A_183 = arith.index_cast %parallel_loop3A_180 : i32 to index
          %parallel_loop3A_184 = tpu.vector_load %arg9[%parallel_loop3A_182, %parallel_loop3A_183] {strides = array<i32>} : memref<8x4096xf32, #tpu.memory_space<vmem>>, vector<16xf32>,
          tpu.vector_store %arg9[%parallel_loop3A_182, %parallel_loop3A_183], %parallel_loop3A_178 {strides = array<i32>} : memref<8x4096xf32, #tpu.memory_space<vmem>>, vector<16xf32>,
          %parallel_loop3A_185 = arith.constant 40 : i32
          %parallel_loop3A_186 = arith.addi %mul3A_113, %parallel_loop3A_185 : i32
          %parallel_loop3A_187 = vector.broadcast %parallel_loop3A_186 : i32 to vector<16xi32>
          %parallel_loop3A_188 = arith.addi %parallel_loop3A_129, %parallel_loop3A_187 : vector<16xi32>
          %parallel_loop3A_189 = tpu.vector_load_idx %arg5[%parallel_loop3A_188] : memref<1024xf32, #tpu.memory_space<vmem>>[vector<16xi32>], vector<16xf32>,
          %parallel_loop3A_190 = arith.constant 16 : i32
          %parallel_loop3A_191 = arith.muli %parallel_loop3A_125, %parallel_loop3A_190 : i32
          %parallel_loop3A_192 = arith.constant 5 : i32
          %parallel_loop3A_193 = arith.index_cast %parallel_loop3A_192 : i32 to index
          %parallel_loop3A_194 = arith.index_cast %parallel_loop3A_191 : i32 to index
          %parallel_loop3A_195 = tpu.vector_load %arg9[%parallel_loop3A_193, %parallel_loop3A_194] {strides = array<i32>} : memref<8x4096xf32, #tpu.memory_space<vmem>>, vector<16xf32>,
          tpu.vector_store %arg9[%parallel_loop3A_193, %parallel_loop3A_194], %parallel_loop3A_189 {strides = array<i32>} : memref<8x4096xf32, #tpu.memory_space<vmem>>, vector<16xf32>,
          %parallel_loop3A_196 = arith.constant 48 : i32
          %parallel_loop3A_197 = arith.addi %mul3A_113, %parallel_loop3A_196 : i32
          %parallel_loop3A_198 = vector.broadcast %parallel_loop3A_197 : i32 to vector<16xi32>
          %parallel_loop3A_199 = arith.addi %parallel_loop3A_129, %parallel_loop3A_198 : vector<16xi32>
          %parallel_loop3A_200 = tpu.vector_load_idx %arg5[%parallel_loop3A_199] : memref<1024xf32, #tpu.memory_space<vmem>>[vector<16xi32>], vector<16xf32>,
          %parallel_loop3A_201 = arith.constant 16 : i32
          %parallel_loop3A_202 = arith.muli %parallel_loop3A_125, %parallel_loop3A_201 : i32
          %parallel_loop3A_203 = arith.constant 6 : i32
          %parallel_loop3A_204 = arith.index_cast %parallel_loop3A_203 : i32 to index
          %parallel_loop3A_205 = arith.index_cast %parallel_loop3A_202 : i32 to index
          %parallel_loop3A_206 = tpu.vector_load %arg9[%parallel_loop3A_204, %parallel_loop3A_205] {strides = array<i32>} : memref<8x4096xf32, #tpu.memory_space<vmem>>, vector<16xf32>,
          tpu.vector_store %arg9[%parallel_loop3A_204, %parallel_loop3A_205], %parallel_loop3A_200 {strides = array<i32>} : memref<8x4096xf32, #tpu.memory_space<vmem>>, vector<16xf32>,
          %parallel_loop3A_207 = arith.constant 56 : i32
          %parallel_loop3A_208 = arith.addi %mul3A_113, %parallel_loop3A_207 : i32
          %parallel_loop3A_209 = vector.broadcast %parallel_loop3A_208 : i32 to vector<16xi32>
          %parallel_loop3A_210 = arith.addi %parallel_loop3A_129, %parallel_loop3A_209 : vector<16xi32>
          %parallel_loop3A_211 = tpu.vector_load_idx %arg5[%parallel_loop3A_210] : memref<1024xf32, #tpu.memory_space<vmem>>[vector<16xi32>], vector<16xf32>,
          %parallel_loop3A_212 = arith.constant 16 : i32
          %parallel_loop3A_213 = arith.muli %parallel_loop3A_125, %parallel_loop3A_212 : i32
          %parallel_loop3A_214 = arith.constant 7 : i32
          %parallel_loop3A_215 = arith.index_cast %parallel_loop3A_214 : i32 to index
          %parallel_loop3A_216 = arith.index_cast %parallel_loop3A_213 : i32 to index
          %parallel_loop3A_217 = tpu.vector_load %arg9[%parallel_loop3A_215, %parallel_loop3A_216] {strides = array<i32>} : memref<8x4096xf32, #tpu.memory_space<vmem>>, vector<16xf32>,
          tpu.vector_store %arg9[%parallel_loop3A_215, %parallel_loop3A_216], %parallel_loop3A_211 {strides = array<i32>} : memref<8x4096xf32, #tpu.memory_space<vmem>>, vector<16xf32>,
        } {sc.loop_unroll_factor = 2 : i64, sc.parallel_access}
        %mul3A_117 = arith.constant 8 : i32
        %mul3A_118 = arith.muli %add3A_106, %mul3A_117 : i32
        %dma_start3A_119 = arith.constant 0 : i32
        %dma_start3A_120 = tpu.memref_slice %arg4[%add3A_64, %mul3A_118, %dma_start3A_119] : memref<1024x128x4096xf32, #tpu.memory_space<hbm>> -> memref<1x8x4096xf32, #tpu.memory_space<hbm>>
        %dma_start3A_121 = tpu.memref_squeeze %dma_start3A_120 : memref<1x8x4096xf32, #tpu.memory_space<hbm>> -> memref<8x4096xf32, #tpu.memory_space<hbm>>
        %dma_start3A_122 = arith.constant 0 : i32
        %dma_start3A_123 = tpu.memref_slice %arg4[%add3A_64, %mul3A_118, %dma_start3A_122] : memref<1024x128x4096xf32, #tpu.memory_space<hbm>> -> memref<1x8x4096xf32, #tpu.memory_space<hbm>>
        %dma_start3A_124 = tpu.memref_squeeze %dma_start3A_123 : memref<1x8x4096xf32, #tpu.memory_space<hbm>> -> memref<8x4096xf32, #tpu.memory_space<hbm>>
        tpu.enqueue_dma source(%arg9 : memref<8x4096xf32, #tpu.memory_space<vmem>>) target(%dma_start3A_124 : memref<8x4096xf32, #tpu.memory_space<hbm>>) target_semaphore(%arg11 : memref<!tpu.dma_semaphore, #tpu.memory_space<semaphore_mem>>)
      }
      %scan3A_83 = arith.constant 8 : i32
    }
    %scan3A_10 = arith.constant 16 : i32
    %dma_wait3A = arith.constant 0 : i32
    %dma_wait3A_11 = arith.constant 0 : i32
    %dma_wait3A_12 = arith.constant 0 : i32
    %dma_wait3A_13 = tpu.memref_slice %arg4[%dma_wait3A, %dma_wait3A_11, %dma_wait3A_12] : memref<1024x128x4096xf32, #tpu.memory_space<hbm>> -> memref<1x8x4096xf32, #tpu.memory_space<hbm>>
    %dma_wait3A_14 = tpu.memref_squeeze %dma_wait3A_13 : memref<1x8x4096xf32, #tpu.memory_space<hbm>> -> memref<8x4096xf32, #tpu.memory_space<hbm>>
    %dma_wait3A_15 = arith.constant 0 : i32
    %dma_wait3A_16 = arith.constant 0 : i32
    %dma_wait3A_17 = tpu.memref_slice %arg4[%dma_wait3A, %dma_wait3A_15, %dma_wait3A_16] : memref<1024x128x4096xf32, #tpu.memory_space<hbm>> -> memref<1x8x4096xf32, #tpu.memory_space<hbm>>
    %dma_wait3A_18 = tpu.memref_squeeze %dma_wait3A_17 : memref<1x8x4096xf32, #tpu.memory_space<hbm>> -> memref<8x4096xf32, #tpu.memory_space<hbm>>
    tpu.wait_dma2 semaphore(%arg10 : memref<!tpu.dma_semaphore, #tpu.memory_space<semaphore_mem>>) src(%arg8 : memref<8x4096xf32, #tpu.memory_space<vmem>>) dst(%dma_wait3A_18 : memref<8x4096xf32, #tpu.memory_space<hbm>>)
    %dma_wait3A_19 = arith.constant 0 : i32
    %dma_wait3A_20 = arith.constant 0 : i32
    %dma_wait3A_21 = arith.constant 0 : i32
    %dma_wait3A_22 = tpu.memref_slice %arg4[%dma_wait3A_19, %dma_wait3A_20, %dma_wait3A_21] : memref<1024x128x4096xf32, #tpu.memory_space<hbm>> -> memref<1x8x4096xf32, #tpu.memory_space<hbm>>
    %dma_wait3A_23 = tpu.memref_squeeze %dma_wait3A_22 : memref<1x8x4096xf32, #tpu.memory_space<hbm>> -> memref<8x4096xf32, #tpu.memory_space<hbm>>
    %dma_wait3A_24 = arith.constant 0 : i32
    %dma_wait3A_25 = arith.constant 0 : i32
    %dma_wait3A_26 = tpu.memref_slice %arg4[%dma_wait3A_19, %dma_wait3A_24, %dma_wait3A_25] : memref<1024x128x4096xf32, #tpu.memory_space<hbm>> -> memref<1x8x4096xf32, #tpu.memory_space<hbm>>
    %dma_wait3A_27 = tpu.memref_squeeze %dma_wait3A_26 : memref<1x8x4096xf32, #tpu.memory_space<hbm>> -> memref<8x4096xf32, #tpu.memory_space<hbm>>
    tpu.wait_dma2 semaphore(%arg11 : memref<!tpu.dma_semaphore, #tpu.memory_space<semaphore_mem>>) src(%arg9 : memref<8x4096xf32, #tpu.memory_space<vmem>>) dst(%dma_wait3A_27 : memref<8x4096xf32, #tpu.memory_space<hbm>>)
    %dma_wait3A_28 = arith.constant 0 : i32
    %dma_wait3A_29 = tpu.memref_slice %arg2[%dma_wait3A_28] : memref<4194304xi32, #tpu.memory_space<hbm>> -> memref<4096xi32, #tpu.memory_space<hbm>>
    %dma_wait3A_30 = arith.constant 0 : i32
    %dma_wait3A_31 = tpu.memref_slice %arg2[%dma_wait3A_30] : memref<4194304xi32, #tpu.memory_space<hbm>> -> memref<4096xi32, #tpu.memory_space<hbm>>
    tpu.wait_dma2 semaphore(%arg12 : memref<!tpu.dma_semaphore, #tpu.memory_space<semaphore_mem>>) src(%dma_wait3A_31 : memref<4096xi32, #tpu.memory_space<hbm>>) dst(%arg6 : memref<4096xi32, #tpu.memory_space<vmem>>)
    return
  }
}

</mosaic_0001>

<sc_bundles>
// kernel: kernel.3.cloned.1.call-start
scs
__scs_entry_jumppad:
0x0: {  	(pc) =	sbr.rel $0x88, $3  }
0x1: {  	(tag) =	ssettag $0x0;
	lr =	simm.s32 $0x1  }
0x2: {  	[smem:$0x3F9F] =	sst lr;
	_ =	strace $0xD0000000  }
0x3: {  	_ = 	snop  }
0x4: {  	_ = 	snop  }
0x5: {  	_ = 	snop  }
0x6: {  	_ = 	snop  }
0x7: {  	_ = 	snop  }
__scs_overlays_trampoline_lowered:
0x8: {  	[smem:$0x3FAE] =	sst s0  }
0x9: {  	[smem:$0x3FAF] =	sst s1  }
0xa: {  	[smem:$0x3FB0] =	sst s2  }
0xb: {  	[smem:$0x3FB1] =	sst s3  }
0xc: {  	[smem:$0x3FB2] =	sst s4  }
0xd: {  	[smem:$0x3FB3] =	sst s5  }
0xe: {  	[smem:$0x3FB4] =	sst s6  }
0xf: {  	[smem:$0x3FB5] =	sst s7  }
0x10: {  	[smem:$0x3FB6] =	sst s8  }
0x11: {  	[smem:$0x3FB7] =	sst s9;
	s0 =	simm.s32 @!p0 $0x0  }
0x12: {  	s1 =	sld [smem:$0x3F9D];
	s0 =	simm.s32 @p0 $0x1  }
0x13: {  	[smem:$0x3FB8] =	sst s0;
	s0 =	simm.s32 @!p1 $0x0  }
0x14: {  	s2 =	sld [smem:$0x3F9C];
	s0 =	simm.s32 @p1 $0x1  }
0x15: {  	[smem:$0x3FB9] =	sst s0;
	s0 =	simm.s32 @!p2 $0x0  }
0x16: {  	s3 =	sld [smem:$0x3FDB];
	s0 =	simm.s32 @p2 $0x1  }
0x17: {  	s4 =	simm.s32 $0x1BF5;
	[smem:$0x3FBB] =	sst s0  }
0x18: {  	s0 =	sld [smem:$0x3F9E];
	_ =	swait.ge [sflag:s4], $0x0  }
0x19: {  	s7 =	sld [smem:$0x3F9F]  }
0x1a: {  	s8 =	sadd.s32 $0xFFFFE003, lr  }
0x1b: {  	s9 =	sadd.s32 $0xFFFFFEF7, lr;
	s5 =	simm.s32 $0xFFFFFFFF;
	p2 =	slt.u32 s8, $0xFFFFF086  }
0x1c: {  	p1 =	slt.u32 s9, $0xF7A;
	s5 =	simm.s32 @!p2 $0x0  }
0x1d: {  	s5 =	simm.s32 @p1 $0x1;
	p0 =	seq.s32 s7, s2  }
0x1e: {  	s7 =	smul.u32 @!p0 $0xF7A, s2;
	p2 =	seq.s32 @!p0 s5, $0x0  }
0x1f: {  	s9 =	smul.u32 $0xF7A, s1;
	s8 =	simm.s32 @!p0 $0x1BF5;
	p2 =	por !p2, p0  }
0x20: {  	[sflag:s8] =	ssyncset.s32 @!p0 $0xFFFFF086;
	s6 =	sadd.s32 @!p0 s3, s7;
	s7 =	simm.s32 @!p0 $0x108  }
0x21: {  	s3 =	sadd.s32 s3, s9;
	s6 =	sadd.s32 @!p0 $0x88, s6;
	s7 =	simm.s32 @p2 $0x1082  }
0x22: {  	[simem:s7], [sflag:s8] =	dma.local @!p0 [hbm:s6], $0xF7A  }
0x23: {  	s9 =	sor.u32 $0xD0000000, s2;
	s6 =	simm.s32 $0x108;
	_ =	swait.ge @!p0 [sflag:s8], $0x0  }
0x24: {  	s3 =	sadd.s32 $0x88, s3;
	s6 =	simm.s32 @!p1 $0x1082;
	[sflag:s4] =	ssyncset.s32 $0xFFFFF086  }
0x25: {  	[simem:s6], [sflag:s4] =	dma.local [hbm:s3], $0xF7A  }
0x26: {  	[smem:$0x3F9F] =	sst s1;
	(tag) =	ssettag s2;
	_ =	strace s9  }
0x27: {  	s1 =	sld [smem:$0x3FAF]  }
0x28: {  	s2 =	sld [smem:$0x3FB0]  }
0x29: {  	s4 =	sld [smem:$0x3FB2]  }
0x2a: {  	p0 =	seq.s32 s5, $0x0;
	s5 =	sld [smem:$0x3FB3]  }
0x2b: {  	s6 =	sld [smem:$0x3FB4]  }
0x2c: {  	s7 =	sld [smem:$0x3FB5]  }
0x2d: {  	s3 =	simm.s32 $0x108;
	s8 =	sld [smem:$0x3FB6]  }
0x2e: {  	s3 =	simm.s32 @!p0 $0x1082;
	s9 =	sld [smem:$0x3FB7]  }
0x2f: {  	lr =	sadd.s32 s0, s3;
	s0 =	sld [smem:$0x3FAE]  }
0x30: {  	s3 =	sld [smem:$0x3FB1]  }
0x31: {  	[smem:$0x3FBA] =	sst s10  }
0x32: {  	s10 =	sld [smem:$0x3FB8];
	_ =	sdelay $0x3  }
0x33: {  	p0 =	seq.s32 s10, $0x1;
	s10 =	sld [smem:$0x3FBA];
	_ =	sdelay $0x3  }
0x34: {  	[smem:$0x3FBA] =	sst s10  }
0x35: {  	s10 =	sld [smem:$0x3FB9];
	_ =	sdelay $0x3  }
0x36: {  	p1 =	seq.s32 s10, $0x1;
	s10 =	sld [smem:$0x3FBA];
	_ =	sdelay $0x3  }
0x37: {  	[smem:$0x3FBA] =	sst s10  }
0x38: {  	s10 =	sld [smem:$0x3FBB]  }
0x39: {  	_ = 	snop;
	(pc) =	sbr.ind lr, $3  }
0x3a: {  	_ = 	snop  }
0x3b: {  	_ = 	snop  }
0x3c: {  	p2 =	seq.s32 s10, $0x1;
	s10 =	sld [smem:$0x3FBA]  }
0x3d: {  	_ =	shalt  }
0x3e: {  	_ =	shalt  }
0x3f: {  	_ =	shalt  }
0x40: {  	_ =	shalt  }
0x41: {  	_ =	shalt  }
0x42: {  	_ =	shalt  }
0x43: {  	_ =	shalt  }
0x44: {  	_ =	shalt  }
0x45: {  	_ =	shalt  }
0x46: {  	_ =	shalt  }
0x47: {  	_ =	shalt  }
0x48: {  	_ =	shalt  }
0x49: {  	_ =	shalt  }
0x4a: {  	_ =	shalt  }
0x4b: {  	_ =	shalt  }
0x4c: {  	_ =	shalt  }
0x4d: {  	_ =	shalt  }
0x4e: {  	_ =	shalt  }
0x4f: {  	_ =	shalt  }
0x50: {  	_ =	shalt  }
0x51: {  	_ =	shalt  }
0x52: {  	_ =	shalt  }
0x53: {  	_ =	shalt  }
0x54: {  	_ =	shalt  }
0x55: {  	_ =	shalt  }
0x56: {  	_ =	shalt  }
0x57: {  	_ =	shalt  }
0x58: {  	_ =	shalt  }
0x59: {  	_ =	shalt  }
0x5a: {  	_ =	shalt  }
0x5b: {  	_ =	shalt  }
0x5c: {  	_ =	shalt  }
0x5d: {  	_ =	shalt  }
0x5e: {  	_ =	shalt  }
0x5f: {  	_ =	shalt  }
0x60: {  	_ =	shalt  }
0x61: {  	_ =	shalt  }
0x62: {  	_ =	shalt  }
0x63: {  	_ =	shalt  }
0x64: {  	_ =	shalt  }
0x65: {  	_ =	shalt  }
0x66: {  	_ =	shalt  }
0x67: {  	_ =	shalt  }
0x68: {  	_ =	shalt  }
0x69: {  	_ =	shalt  }
0x6a: {  	_ =	shalt  }
0x6b: {  	_ =	shalt  }
0x6c: {  	_ =	shalt  }
0x6d: {  	_ =	shalt  }
0x6e: {  	_ =	shalt  }
0x6f: {  	_ =	shalt  }
0x70: {  	_ =	shalt  }
0x71: {  	_ =	shalt  }
0x72: {  	_ =	shalt  }
0x73: {  	_ =	shalt  }
0x74: {  	_ =	shalt  }
0x75: {  	_ =	shalt  }
0x76: {  	_ =	shalt  }
0x77: {  	_ =	shalt  }
0x78: {  	_ =	shalt  }
0x79: {  	_ =	shalt  }
0x7a: {  	_ =	shalt  }
0x7b: {  	_ =	shalt  }
0x7c: {  	_ =	shalt  }
0x7d: {  	_ =	shalt  }
0x7e: {  	_ =	shalt  }
0x7f: {  	_ =	shalt  }
0x80: {  	_ =	shalt  }
0x81: {  	_ =	shalt  }
0x82: {  	_ =	shalt  }
0x83: {  	_ =	shalt  }
0x84: {  	_ =	shalt  }
0x85: {  	_ =	shalt  }
0x86: {  	_ =	shalt  }
0x87: {  	_ =	shalt  }
.Lfunc_end0:
.L_simem_size_0:
called_computation_lowered:
.L_overlay_start_0:
0x88: {  	s2 =	sld [smem:$0x3FD9]  }
0x89: {  	s3 =	sld [smem:$0x3FFE];
	_ =	sdelay $0x1  }
0x8a: {  	s1 =	srdreg.scid  }
0x8b: {  	s0 =	sand.u32 $0x1, s1  }
0x8c: {  	s17 =	sshll.u32 s0, $0xA;
	s2 =	sadd.s32 s3, s2  }
0x8d: {  	s2 =	sadd.s32 s2, s17  }
0x8e: {  	[smem:$0x3FC6] =	sst s2  }
0x8f: {  	_ = 	snop  }
0x90: {  	s2 =	sld [smem:$0x3FD0];
	(tm) =	ssettm $0x1  }
0x91: {  	s18 =	sld [smem:$0x3FFB];
	_ =	sdelay $0x3  }
0x92: {  	_ =	strace s18  }
0x93: {  	s3 =	sld [smem:$0x3FFC];
	_ =	sdelay $0x3  }
0x94: {  	_ =	strace s3  }
0x95: {  	s3 =	sld [smem:$0x3FFD];
	_ =	sdelay $0x3  }
0x96: {  	_ =	strace s3  }
0x97: {  	_ =	strace $0x8FFFFFFF  }
0x98: {  	s19 =	sld [smem:$0x3FDB];
	_ =	sdelay $0x1  }
0x99: {  	s4 =	simm.s32 $_scs_section_size  }
0x9a: {  	s5 =	simm.s32 $_size__tile_overlayer_lowered;
	s6 =	simm.s32 $_tile_overlayer_lowered  }
0x9b: {  	s22 =	simm.s32 $0x1BFF;
	s21 =	sshll.u32 s6, $0x1;
	s3 =	sadd.s32 s4, s19  }
0x9c: {  	s7 =	simm.s32 $0x0;
	s20 =	sshll.u32 s5, $0x1;
	s5 =	sadd.s32 s21, s3  }
0x9d: {  	[timem:s7], [sflag:s22] =	dma.local [hbm:s5], s20  }
0x9e: {  	_ =	swait.ge [sflag:s22], s20  }
0x9f: {  	s4 =	ssub.s32 $0x0, s20;
	[sflag:s22] =	ssyncset.done $0x0  }
0xa0: {  	[sflag:s22] =	ssyncadd.s32 s4;
	_ =	sdelay $0x1  }
0xa1: {  	s23 =	simm.s32 $0x1B8B  }
0xa2: {  	_ =	swait.ge [sflag:s23], $0x1  }
0xa3: {  	[sflag:s23] =	ssyncset.done $0x0  }
0xa4: {  	s25 =	simm.s32 $0x1B8E;
	s24 =	sld [smem:$0x3FFE];
	[sflag:s23] =	ssyncadd.s32 $0xFFFFFFFF  }
0xa5: {  	s26 =	simm.s32 $execute0_lowered;
	[smem:$0x3FD2] =	sst s25  }
0xa6: {  	s5 =	sshll.u32 s26, $0x1;
	_ =	strace $0x80000046;
	[dreg:$0x1] =	wrdreg $0xFFFFFFFF  }
0xa7: {  	s28 =	simm.s32 $_size_execute0_lowered;
	s3 =	sadd.s32 s3, s5;
	[dreg:$0x0] =	wrdreg $0x0  }
0xa8: {  	s5 =	sshll.u32 s28, $0x1;
	[dreg:$0x2] =	wrdreg s3  }
0xa9: {  	[dreg:$0x3] =	wrdreg s5  }
0xaa: {  	[dreg:$0x4] =	wrdreg $0xC0  }
0xab: {  	_ =	task [dreg:s7], $0x5FFFF  }
0xac: {  	[dreg:$0x1] =	wrdreg $0xFFFFFFFF  }
0xad: {  	[dreg:$0x0] =	wrdreg $0x60  }
0xae: {  	[dreg:$0x2] =	wrdreg s24  }
0xaf: {  	[dreg:$0x3] =	wrdreg s2  }
0xb0: {  	[dreg:$0x4] =	wrdreg $0x9  }
0xb1: {  	_ =	task.clear_ibuf [dreg:s7], $0x5FFFF;
	_ =	strace $0x90000046  }
0xb2: {  	s29 =	simm.s32 $0x9;
	_ =	strace $0x80000048  }
0xb3: {  	_ =	swait.ge [sflag:s29], $0x1  }
0xb4: {  	[sflag:s29] =	ssyncadd.s32 $0xFFFFFFFF  }
0xb5: {  	_ =	strace $0x90000048  }
0xb6: {  	_ =	sfence  }
0xb7: {  	s30 =	sld [smem:$0x0];
	_ =	sdelay $0x2  }
0xb8: {  	s31 =	sshll.u32 s1, $0xD;
	s1 =	sshrl.u32 s1, $0x2  }
0xb9: {  	s3 =	sand.u32 $0x4000, s31;
	s1 =	sadd.s32 s1, s30  }
0xba: {  	s0 =	sor.u32 s3, s0;
	s1 =	sshll.u32 s1, $0x11  }
0xbb: {  	s0 =	sor.u32 s1, s0  }
0xbc: {  	s0 =	sadd.s32 $0x8F2B, s0  }
0xbd: {  	[sflag:s0] =	ssyncadd.remote.s32 $0x1  }
0xbe: {  	_ =	sfence.sel $0xFFFF  }
0xbf: {  	[dreg:$0x0] =	wrdreg $0xFFFFFFFF;
	(pc) =	sbr.abs _section_cstart, $3  }
0xc0: {  	[dreg:$0x1] =	wrdreg $0xFFFFFFFF  }
0xc1: {  	_ =	task.clear_ibuf [dreg:s7], $0x2FFFF;
	_ =	strace $0x9FFFFFFF  }
0xc2: {  	(tm) =	ssettm $0x7FFFFFFF  }
0xc3: {  	_ =	shalt  }
tec
execute0_lowered:
.L_overlay_start_1:
0x0: {  	(tag) =	ssettag $0x1  }
0x1: {  	s0 =	rddreg [dreg:$0x0]  }
0x2: {  	s2 =	rddreg [dreg:$0x1]  }
0x3: {  	s3 =	simm.s32 $0x0;
	s1 =	srdreg.scid;
	s4 =	stileid.u32  }
0x4: {  	s14 =	simm.s32 $0x2400;
	s15 =	simm.s32 $0xA400;
	[smem:$0x7FF] =	sst s3  }
0x5: {  	s1 =	sand.u32 $0x1, s1;
	s4 =	sshll.u32 s4, $0x1;
	s31 =	sadd.s32 $0x600, s0  }
0x6: {  	s0 =	sadd.s32 $0x400, s0;
	_ =	strace $0x80000047;
	s6 =	ssub.s32 $0x2, s1  }
0x7: {  	s5 =	sor.u32 s1, s4;
	[dreg:$0x4] =	wrdreg s0;
	s26 =	sshrl.u32 s6, $0x1  }
0x8: {  	s4 =	sshll.u32 s5, $0x9;
	[dreg:$0x3] =	wrdreg s5;
	s30 =	sor.u32 $0x3E0, s5  }
0x9: {  	s28 =	ssub.s32 s6, s26;
	s29 =	sadd.s32 s31, s4;
	[dreg:$0x6] =	wrdreg s30  }
0xa: {  	s17 =	simm.s32 $0x1;
	[dreg:$0x5] =	wrdreg s29;
	s0 =	smax.u32 s28, $0x1  }
0xb: {  	s18 =	simm.s32 $0x2;
	s4 =	simm.s32 $0x0;
	[dreg:$0x7] =	wrdreg s0  }
.LBB2_1:
0xc: {  	[dreg:$0x8] =	wrdreg s4  }
0xd: {  	s0 =	rddreg [dreg:$0x4];
	s29 =	simm.s32 $0x5  }
0xe: {  	[tilespmem:s3], [sflag:$0x5] =	stream.linear.gather [hbm4b:s0+s3], $0x400, $0x38;
	[tilespmem:$0x12400] =	vst v63  }
0xf: {  	_ =	swait.ge [sflag:s29], $0x400  }
0x10: {  	s1 =	simm.s32 $0x400;
	[sflag:s29] =	ssyncset.done $0x0  }
0x11: {  	s20 =	simm.s32 $0x0;
	s30 =	rddreg [dreg:$0x5];
	[sflag:s29] =	ssyncadd.s32 $0xFFFFFC00  }
0x12: {  	[tilespmem:s1], [sflag:$0x3] =	stream.linear.gather [hbm4b:s30+s3], $0x1000, $0x38;
	[tilespmem:$0x12400] =	vst v63  }
.LBB2_2:
0x13: {  	s0 =	sshll.u32 s20, $0x6;
	s1 =	rddreg [dreg:$0x3];
	s4 =	simm.s32 $0x3  }
0x14: {  	s21 =	sor.u32 s1, s0;
	_ =	swait.ge [sflag:s4], $0x1000  }
0x15: {  	s8 =	smov.u32 s31;
	s0 =	sor.u32 $0x20, s21;
	s30 =	rddreg [dreg:$0x6]  }
0x16: {  	s23 =	simm.s32 $0x0;
	s24 =	simm.s32 $0x0;
	s0 =	smin.u32 s0, s30  }
0x17: {  	[sflag:s4] =	ssyncset.done $0x0;
	s22 =	sshll.u32 s21, $0x13;
	s0 =	sshll.u32 s0, $0x9  }
0x18: {  	[sflag:s4] =	ssyncadd.s32 $0xFFFFF000;
	s0 =	sadd.s32 s31, s0;
	s31 =	simm.s32 $0x1400  }
0x19: {  	[tilespmem:s31], [sflag:$0x4] =	stream.linear.gather [hbm4b:s0+s23], $0x1000, $0x38;
	[tilespmem:$0x12400] =	vst v63  }
.LBB2_3:
0x1a: {  	s0 =	sor.u32 s20, s24  }
0x1b: {  	p0 =	seq.s32 s0, $0x0  }
0x1c: {  	s0 =	simm.s32 @!p0 $0x1  }
0x1d: {  	s1 =	sand.u32 $0x60, s23;
	_ =	swait.ge @!p0 [sflag:s0], $0x8000  }
0x1e: {  	s6 =	sand.u32 $0xF80, s23;
	s4 =	sor.u32 $0x10, s1;
	[sflag:s0] =	ssyncset.done @!p0 $0x0  }
0x1f: {  	s13 =	sor.u32 s4, s6;
	[sflag:s0] =	ssyncadd.s32 @!p0 $0xFFFF8000  }
0x20: {  	v15 =	vld [tilespmem:s13+$0x400]  }
0x21: {  	s16 =	simm.s32 $0x400  }
0x22: {  	v14 =	vld [tilespmem:s16+$0x0]  }
0x23: {  	s0 =	sshll.u32 s24, $0x7  }
0x24: {  	v4 =	vmov s0  }
0x25: {  	v0 =	vadd.s32 v4, v15;
	_ =	sdelay $0x1  }
0x26: {  	v1 =	vadd.s32 v4, v14;
	_ =	sdelay $0x1  }
0x27: {  	s25 =	simm.s32 $0x20;
	s19 =	sor.u32 $0x8, s0  }
0x28: {  	s11 =	sand.u32 $0x60, s25;
	v5 =	vmov s19;
	v0 =	vld.idx.msk [tilespmem:v0+s3+$0x0], $0xffff  }
0x29: {  	s6 =	sand.u32 $0xF80, s25;
	s13 =	sor.u32 $0x10, s11;
	v2 =	vadd.s32 v5, v15  }
0x2a: {  	s7 =	sand.u32 $0x7C00, s23;
	s26 =	sor.u32 s13, s6;
	v3 =	vld.idx.msk [tilespmem:v1+s3+$0x0], $0xffff  }
0x2b: {  	s7 =	sadd.s32 $0x2400, s7;
	v7 =	vadd.s32 v5, v14;
	v1 =	vld [tilespmem:s26+$0x400]  }
0x2c: {  	s10 =	simm.s32 $0x420;
	s9 =	sor.u32 s4, s7  }
0x2d: {  	s5 =	sor.u32 $0x10, s0;
	[tilespmem:s9+$0x0] =	vst v0;
	v0 =	vld [tilespmem:s10+$0x0]  }
0x2e: {  	s1 =	sor.u32 s1, s7;
	v6 =	vmov s5;
	v2 =	vld.idx.msk [tilespmem:v2+s3+$0x0], $0xffff  }
0x2f: {  	[tilespmem:s1+$0x0] =	vst v3;
	v3 =	vadd.s32 v6, v15  }
0x30: {  	v10 =	vadd.s32 v4, v1;
	v7 =	vld.idx.msk [tilespmem:v7+s3+$0x0], $0xffff  }
0x31: {  	v9 =	vadd.s32 v6, v14;
	_ =	sdelay $0x1  }
0x32: {  	s12 =	sor.u32 $0x18, s0;
	[tilespmem:s9+$0x80] =	vst v2;
	v2 =	vadd.s32 v4, v0  }
0x33: {  	v8 =	vmov s12;
	v3 =	vld.idx.msk [tilespmem:v3+s3+$0x0], $0xffff  }
0x34: {  	v10 =	vld.idx.msk [tilespmem:v10+s3+$0x0], $0xffff;
	[tilespmem:s1+$0x80] =	vst v7;
	v7 =	vadd.s32 v8, v15  }
0x35: {  	s25 =	simm.s32 $0x100;
	v13 =	vadd.s32 v5, v1;
	v11 =	vld.idx.msk [tilespmem:v9+s3+$0x0], $0xffff  }
0x36: {  	s19 =	sand.u32 $0x7C00, s25;
	v12 =	vadd.s32 v8, v14  }
0x37: {  	s6 =	sadd.s32 $0x2400, s19;
	s26 =	simm.s32 $0x440;
	v16 =	vld.idx.msk [tilespmem:v2+s3+$0x0], $0xffff  }
0x38: {  	s16 =	sor.u32 $0x20, s0;
	s19 =	simm.s32 $0x40;
	s29 =	sor.u32 s13, s6;
	v2 =	vld [tilespmem:s26+$0x0];
	[tilespmem:s9+$0x100] =	vst v3  }
0x39: {  	s10 =	sand.u32 $0x60, s19;
	v17 =	vadd.s32 v5, v0;
	v9 =	vmov s16;
	[tilespmem:s29+$0x0] =	vst v10;
	v7 =	vld.idx.msk [tilespmem:v7+s3+$0x0], $0xffff  }
0x3a: {  	s5 =	sand.u32 $0xF80, s19;
	s4 =	sor.u32 $0x10, s10;
	v18 =	vadd.s32 v9, v15;
	v10 =	vld.idx.msk [tilespmem:v13+s3+$0x0], $0xffff;
	[tilespmem:s1+$0x100] =	vst v11  }
0x3b: {  	s7 =	sor.u32 s4, s5;
	v11 =	vld.idx.msk [tilespmem:v12+s3+$0x0], $0xffff  }
0x3c: {  	s28 =	sor.u32 s11, s6;
	v13 =	vadd.s32 v9, v14;
	v3 =	vld [tilespmem:s7+$0x400]  }
0x3d: {  	[tilespmem:s28+$0x0] =	vst v16;
	v16 =	vadd.s32 v6, v1  }
0x3e: {  	s7 =	sor.u32 $0x28, s0;
	v17 =	vld.idx.msk [tilespmem:v17+s3+$0x0], $0xffff;
	[tilespmem:s9+$0x180] =	vst v7;
	v7 =	vadd.s32 v4, v2  }
0x3f: {  	v19 =	vadd.s32 v6, v0;
	v12 =	vmov s7;
	v18 =	vld.idx.msk [tilespmem:v18+s3+$0x0], $0xffff  }
0x40: {  	v20 =	vadd.s32 v12, v15;
	[tilespmem:s1+$0x180] =	vst v11  }
0x41: {  	[tilespmem:s29+$0x80] =	vst v10;
	v21 =	vadd.s32 v4, v3;
	v13 =	vld.idx.msk [tilespmem:v13+s3+$0x0], $0xffff  }
0x42: {  	v10 =	vld.idx.msk [tilespmem:v16+s3+$0x0], $0xffff;
	v16 =	vadd.s32 v12, v14  }
0x43: {  	[tilespmem:s28+$0x80] =	vst v17;
	v22 =	vld.idx.msk [tilespmem:v7+s3+$0x0], $0xffff;
	v7 =	vadd.s32 v8, v1  }
0x44: {  	v17 =	vld.idx.msk [tilespmem:v19+s3+$0x0], $0xffff;
	[tilespmem:s9+$0x200] =	vst v18  }
0x45: {  	s11 =	sor.u32 $0x30, s0;
	v19 =	vadd.s32 v8, v0;
	v18 =	vld.idx.msk [tilespmem:v20+s3+$0x0], $0xffff  }
0x46: {  	s26 =	simm.s32 $0x200;
	v24 =	vadd.s32 v5, v2;
	v11 =	vmov s11;
	[tilespmem:s1+$0x200] =	vst v13;
	v20 =	vld.idx.msk [tilespmem:v21+s3+$0x0], $0xffff  }
0x47: {  	s12 =	sand.u32 $0x7C00, s26;
	v13 =	vadd.s32 v11, v15;
	v16 =	vld.idx.msk [tilespmem:v16+s3+$0x0], $0xffff;
	[tilespmem:s29+$0x100] =	vst v10  }
0x48: {  	s13 =	simm.s32 $0x460;
	s0 =	sor.u32 $0x38, s0;
	s16 =	sadd.s32 $0x2400, s12;
	v21 =	vadd.s32 v5, v3;
	v23 =	vld.idx.msk [tilespmem:v7+s3+$0x0], $0xffff  }
0x49: {  	v10 =	vmov s0;
	s0 =	sor.u32 s10, s16;
	v7 =	vld [tilespmem:s13+$0x0];
	[tilespmem:s28+$0x100] =	vst v17  }
0x4a: {  	s6 =	simm.s32 $0x60;
	[tilespmem:s0+$0x0] =	vst v22;
	v17 =	vld.idx.msk [tilespmem:v19+s3+$0x0], $0xffff;
	v19 =	vadd.s32 v9, v1  }
0x4b: {  	s7 =	sand.u32 $0x60, s6;
	s30 =	sor.u32 s4, s16;
	v22 =	vld.idx.msk [tilespmem:v24+s3+$0x0], $0xffff;
	[tilespmem:s9+$0x280] =	vst v18;
	v18 =	vadd.s32 v11, v14  }
0x4c: {  	s19 =	sand.u32 $0xF80, s6;
	s5 =	sand.u32 $0x3, s23;
	v25 =	vadd.s32 v9, v0;
	s9 =	sor.u32 $0x10, s7;
	[tilespmem:s30+$0x0] =	vst v20;
	v20 =	vld.idx.msk [tilespmem:v13+s3+$0x0], $0xffff  }
0x4d: {  	s10 =	sshll.u32 s5, $0x5;
	v15 =	vadd.s32 v10, v15;
	s4 =	sor.u32 s9, s19;
	v21 =	vld.idx.msk [tilespmem:v21+s3+$0x0], $0xffff  }
0x4e: {  	v63 =	vadd.s32 v6, v3;
	v13 =	vld [tilespmem:s4+$0x400];
	s4 =	sadd.s32 $0x0, s10;
	[tilespmem:s29+$0x180] =	vst v23  }
0x4f: {  	[tilespmem:s1+$0x280] =	vst v16;
	v16 =	vadd.s32 v4, v7;
	s11 =	sadd.s32 $0x10, s4;
	v19 =	vld.idx.msk [tilespmem:v19+s3+$0x0], $0xffff  }
0x50: {  	v23 =	vadd.s32 v6, v2;
	[tilespmem:s28+$0x180] =	vst v17;
	s12 =	sor.u32 $0x300, s11;
	v17 =	vld.idx.msk [tilespmem:v18+s3+$0x0], $0xffff  }
0x51: {  	v25 =	vld.idx.msk [tilespmem:v25+s3+$0x0], $0xffff;
	v18 =	vadd.s32 v12, v1;
	[tilespmem:s12+$0x2400] =	vst v20  }
0x52: {  	v14 =	vadd.s32 v10, v14;
	[tilespmem:s30+$0x80] =	vst v21;
	v27 =	vld.idx.msk [tilespmem:v15+s3+$0x0], $0xffff  }
0x53: {  	v26 =	vadd.s32 v4, v13;
	v24 =	vld.idx.msk [tilespmem:v63+s3+$0x0], $0xffff  }
0x54: {  	[tilespmem:s0+$0x80] =	vst v22;
	v15 =	vadd.s32 v12, v0;
	v16 =	vld.idx.msk [tilespmem:v16+s3+$0x0], $0xffff  }
0x55: {  	v28 =	vadd.s32 v8, v3;
	s13 =	sor.u32 $0x300, s4;
	v20 =	vld.idx.msk [tilespmem:v23+s3+$0x0], $0xffff;
	[tilespmem:s29+$0x200] =	vst v19  }
0x56: {  	v18 =	vld.idx.msk [tilespmem:v18+s3+$0x0], $0xffff;
	[tilespmem:s13+$0x2400] =	vst v17  }
0x57: {  	v21 =	vadd.s32 v8, v2;
	v14 =	vld.idx.msk [tilespmem:v14+s3+$0x0], $0xffff  }
0x58: {  	s19 =	simm.s32 $0x6;
	[tilespmem:s28+$0x200] =	vst v25;
	v17 =	vadd.s32 v11, v1;
	v22 =	vld.idx.msk [tilespmem:v26+s3+$0x0], $0xffff  }
0x59: {  	s1 =	simm.s32 $0x300;
	s10 =	simm.s32 $0x0;
	s16 =	sor.u32 $0x380, s11;
	v23 =	vadd.s32 v5, v13;
	v15 =	vld.idx.msk [tilespmem:v15+s3+$0x0], $0xffff;
	[tilespmem:s30+$0x100] =	vst v24  }
0x5a: {  	s31 =	sor.u32 $0x380, s4;
	s11 =	sand.u32 $0x7C00, s1;
	s13 =	simm.s32 $0x480;
	[tilespmem:s16+$0x2400] =	vst v27;
	v19 =	vld.idx.msk [tilespmem:v28+s3+$0x0], $0xffff  }
.LBB2_4:
0x5b: {  	v24 =	vld [tilespmem:s13+$0x0];
	s4 =	sadd.s32 $0x2400, s11;
	v25 =	vadd.s32 v5, v7;
	s6 =	sadd.s32 $0x20, s6;
	[tilespmem:s0+$0x100] =	vst v20;
	s10 =	sadd.s32 $0x1, s10  }
0x5c: {  	s19 =	sadd.s32 $0x2, s19;
	s11 =	sand.u32 $0x60, s6;
	s16 =	sor.u32 s9, s4;
	v20 =	vld.idx.msk [tilespmem:v21+s3+$0x0], $0xffff;
	v21 =	vadd.s32 v9, v3;
	[tilespmem:s29+$0x280] =	vst v18  }
0x5d: {  	s29 =	sand.u32 $0xF80, s6;
	p1 =	slt.u32 s19, $0xFE;
	v18 =	vadd.s32 v11, v0;
	s9 =	sor.u32 $0x10, s11;
	[tilespmem:s16+$0x0] =	vst v22;
	v17 =	vld.idx.msk [tilespmem:v17+s3+$0x0], $0xffff  }
0x5e: {  	s4 =	sor.u32 s7, s4;
	s7 =	sand.u32 $0x3, s10;
	s29 =	sor.u32 s9, s29;
	v22 =	vld.idx.msk [tilespmem:v23+s3+$0x0], $0xffff;
	v23 =	vadd.s32 v9, v2;
	[tilespmem:s28+$0x280] =	vst v15  }
0x5f: {  	s28 =	sshll.u32 s7, $0x5;
	v15 =	vadd.s32 v10, v1;
	v1 =	vmov v3;
	v3 =	vmov v13;
	s7 =	smov.u32 s11;
	[tilespmem:s4+$0x0] =	vst v16;
	v13 =	vld [tilespmem:s29+$0x400];
	s29 =	smov.u32 s30  }
0x60: {  	v16 =	vadd.s32 v6, v3;
	s11 =	sadd.s32 s28, s25;
	s30 =	smov.u32 s16;
	s28 =	smov.u32 s0;
	v25 =	vld.idx.msk [tilespmem:v25+s3+$0x0], $0xffff;
	[tilespmem:s29+$0x180] =	vst v19  }
0x61: {  	v19 =	vadd.s32 v4, v24;
	s16 =	sor.u32 $0x300, s11;
	s12 =	sadd.s32 $0x10, s11;
	v21 =	vld.idx.msk [tilespmem:v21+s3+$0x0], $0xffff;
	[tilespmem:s31+$0x2400] =	vst v14;
	s31 =	sor.u32 $0x380, s11  }
0x62: {  	s0 =	smov.u32 s4;
	s25 =	smov.u32 s26;
	v14 =	vadd.s32 v6, v7;
	s11 =	sor.u32 $0x300, s12;
	[tilespmem:s28+$0x180] =	vst v20;
	v26 =	vld.idx.msk [tilespmem:v18+s3+$0x0], $0xffff  }
0x63: {  	s26 =	smov.u32 s1;
	v18 =	vadd.s32 v12, v1;
	v23 =	vld.idx.msk [tilespmem:v23+s3+$0x0], $0xffff;
	[tilespmem:s11+$0x2400] =	vst v17  }
0x64: {  	v17 =	vadd.s32 v4, v13;
	[tilespmem:s30+$0x80] =	vst v22;
	v27 =	vld.idx.msk [tilespmem:v15+s3+$0x0], $0xffff  }
0x65: {  	v15 =	vadd.s32 v12, v2;
	v28 =	vld.idx.msk [tilespmem:v16+s3+$0x0], $0xffff  }
0x66: {  	v16 =	vld.idx.msk [tilespmem:v19+s3+$0x0], $0xffff;
	[tilespmem:s0+$0x80] =	vst v25;
	v19 =	vadd.s32 v10, v0;
	v0 =	vmovc v2;
	v2 =	vmov v7;
	v7 =	vmov v24  }
0x67: {  	v24 =	vadd.s32 v8, v3;
	v20 =	vld.idx.msk [tilespmem:v14+s3+$0x0], $0xffff;
	[tilespmem:s29+$0x200] =	vst v21  }
.Ltmp0:
0x68: {  	v18 =	vld.idx.msk [tilespmem:v18+s3+$0x0], $0xffff;
	[tilespmem:s16+$0x2400] =	vst v26;
	(pc) =	sbr.rel @p1 .LBB2_4-.Ltmp0, $4  }
0x69: {  	s4 =	sor.u32 $0x380, s12;
	v21 =	vadd.s32 v8, v2;
	v22 =	vld.idx.msk [tilespmem:v17+s3+$0x0], $0xffff;
	[tilespmem:s28+$0x200] =	vst v23  }
0x6a: {  	v17 =	vadd.s32 v11, v1;
	v15 =	vld.idx.msk [tilespmem:v15+s3+$0x0], $0xffff;
	[tilespmem:s4+$0x2400] =	vst v27  }
0x6b: {  	s1 =	sadd.s32 $0x100, s1;
	v23 =	vadd.s32 v5, v13;
	[tilespmem:s30+$0x100] =	vst v28;
	v14 =	vld.idx.msk [tilespmem:v19+s3+$0x0], $0xffff  }
0x6c: {  	s13 =	sadd.s32 $0x20, s13;
	s11 =	sand.u32 $0x7C00, s1;
	v19 =	vld.idx.msk [tilespmem:v24+s3+$0x0], $0xffff  }
0x6d: {  	v4 =	vadd.s32 v5, v7  }
0x6e: {  	s4 =	sadd.s32 $0x2400, s11  }
0x6f: {  	s9 =	sor.u32 s9, s4  }
0x70: {  	s6 =	sor.u32 s7, s4;
	[tilespmem:s9+$0x0] =	vst v22  }
0x71: {  	[tilespmem:s6+$0x0] =	vst v16;
	v5 =	vld.idx.msk [tilespmem:v23+s3+$0x0], $0xffff  }
0x72: {  	v16 =	vadd.s32 v6, v13;
	v4 =	vld.idx.msk [tilespmem:v4+s3+$0x0], $0xffff  }
0x73: {  	v6 =	vadd.s32 v6, v7;
	_ =	sdelay $0x2  }
0x74: {  	[tilespmem:s9+$0x80] =	vst v5  }
0x75: {  	v5 =	vld.idx.msk [tilespmem:v16+s3+$0x0], $0xffff;
	[tilespmem:s6+$0x80] =	vst v4  }
0x76: {  	v4 =	vld.idx.msk [tilespmem:v6+s3+$0x0], $0xffff;
	v6 =	vadd.s32 v8, v13  }
0x77: {  	v8 =	vadd.s32 v8, v7;
	_ =	sdelay $0x1  }
0x78: {  	[tilespmem:s0+$0x100] =	vst v20  }
0x79: {  	v20 =	vadd.s32 v9, v3;
	v16 =	vld.idx.msk [tilespmem:v21+s3+$0x0], $0xffff;
	[tilespmem:s9+$0x100] =	vst v5  }
0x7a: {  	v5 =	vadd.s32 v9, v2;
	v6 =	vld.idx.msk [tilespmem:v6+s3+$0x0], $0xffff;
	[tilespmem:s6+$0x100] =	vst v4  }
0x7b: {  	v4 =	vld.idx.msk [tilespmem:v8+s3+$0x0], $0xffff;
	v8 =	vadd.s32 v9, v13  }
0x7c: {  	v9 =	vadd.s32 v9, v7  }
0x7d: {  	[tilespmem:s30+$0x180] =	vst v19  }
0x7e: {  	v19 =	vld.idx.msk [tilespmem:v20+s3+$0x0], $0xffff;
	[tilespmem:s0+$0x180] =	vst v16  }
0x7f: {  	v16 =	vadd.s32 v12, v3;
	v5 =	vld.idx.msk [tilespmem:v5+s3+$0x0], $0xffff;
	[tilespmem:s9+$0x180] =	vst v6  }
0x80: {  	v6 =	vadd.s32 v12, v2;
	v8 =	vld.idx.msk [tilespmem:v8+s3+$0x0], $0xffff;
	[tilespmem:s6+$0x180] =	vst v4  }
0x81: {  	v4 =	vld.idx.msk [tilespmem:v9+s3+$0x0], $0xffff;
	v9 =	vadd.s32 v12, v13  }
0x82: {  	[tilespmem:s29+$0x280] =	vst v18;
	v12 =	vadd.s32 v12, v7  }
0x83: {  	[tilespmem:s30+$0x200] =	vst v19  }
0x84: {  	v18 =	vadd.s32 v11, v0;
	v16 =	vld.idx.msk [tilespmem:v16+s3+$0x0], $0xffff;
	[tilespmem:s0+$0x200] =	vst v5  }
0x85: {  	v5 =	vld.idx.msk [tilespmem:v6+s3+$0x0], $0xffff;
	v6 =	vadd.s32 v11, v3;
	[tilespmem:s9+$0x200] =	vst v8  }
0x86: {  	v8 =	vadd.s32 v11, v2;
	v9 =	vld.idx.msk [tilespmem:v9+s3+$0x0], $0xffff;
	[tilespmem:s6+$0x200] =	vst v4  }
0x87: {  	s10 =	sadd.s32 $0x1, s10;
	[tilespmem:s28+$0x280] =	vst v15;
	v4 =	vld.idx.msk [tilespmem:v12+s3+$0x0], $0xffff;
	v12 =	vadd.s32 v11, v13  }
0x88: {  	s11 =	sand.u32 $0x3, s10;
	v15 =	vld.idx.msk [tilespmem:v17+s3+$0x0], $0xffff;
	[tilespmem:s31+$0x2400] =	vst v14;
	v11 =	vadd.s32 v11, v7  }
0x89: {  	v1 =	vadd.s32 v10, v1;
	s4 =	sadd.s32 $0x1, s10;
	s7 =	sshll.u32 s11, $0x5;
	v14 =	vld.idx.msk [tilespmem:v18+s3+$0x0], $0xffff;
	[tilespmem:s30+$0x280] =	vst v16  }
0x8a: {  	v0 =	vadd.s32 v10, v0;
	s12 =	sand.u32 $0x3, s4;
	s7 =	sadd.s32 s7, s25;
	v6 =	vld.idx.msk [tilespmem:v6+s3+$0x0], $0xffff;
	[tilespmem:s0+$0x280] =	vst v5  }
0x8b: {  	s4 =	sadd.s32 $0x1, s4;
	s10 =	sshll.u32 s12, $0x5;
	v3 =	vadd.s32 v10, v3;
	s0 =	sadd.s32 $0x10, s7;
	v5 =	vld.idx.msk [tilespmem:v8+s3+$0x0], $0xffff;
	[tilespmem:s9+$0x280] =	vst v9  }
0x8c: {  	s4 =	sand.u32 $0x3, s4;
	s10 =	sadd.s32 s10, s26;
	v2 =	vadd.s32 v10, v2;
	s13 =	sor.u32 $0x300, s0;
	v8 =	vld.idx.msk [tilespmem:v12+s3+$0x0], $0xffff;
	[tilespmem:s6+$0x280] =	vst v4  }
0x8d: {  	s16 =	sor.u32 $0x300, s7;
	s4 =	sshll.u32 s4, $0x5;
	s19 =	sadd.s32 $0x10, s10;
	[tilespmem:s13+$0x2400] =	vst v15;
	v4 =	vadd.s32 v10, v13;
	v9 =	vld.idx.msk [tilespmem:v11+s3+$0x0], $0xffff  }
0x8e: {  	s1 =	sadd.s32 s4, s1;
	s25 =	sor.u32 $0x300, s19;
	[tilespmem:s16+$0x2400] =	vst v14;
	v7 =	vadd.s32 v10, v7;
	v1 =	vld.idx.msk [tilespmem:v1+s3+$0x0], $0xffff  }
0x8f: {  	s26 =	sor.u32 $0x300, s10;
	s5 =	sadd.s32 $0x10, s1;
	v0 =	vld.idx.msk [tilespmem:v0+s3+$0x0], $0xffff;
	[tilespmem:s25+$0x2400] =	vst v6  }
0x90: {  	s11 =	sor.u32 $0x300, s5;
	v3 =	vld.idx.msk [tilespmem:v3+s3+$0x0], $0xffff;
	[tilespmem:s26+$0x2400] =	vst v5  }
0x91: {  	s12 =	sor.u32 $0x300, s1;
	v2 =	vld.idx.msk [tilespmem:v2+s3+$0x0], $0xffff;
	[tilespmem:s11+$0x2400] =	vst v8  }
0x92: {  	s0 =	sor.u32 $0x380, s0;
	v4 =	vld.idx.msk [tilespmem:v4+s3+$0x0], $0xffff;
	[tilespmem:s12+$0x2400] =	vst v9  }
0x93: {  	s13 =	sor.u32 $0x380, s7;
	[tilespmem:s0+$0x2400] =	vst v1;
	v1 =	vld.idx.msk [tilespmem:v7+s3+$0x0], $0xffff  }
0x94: {  	s16 =	sor.u32 $0x380, s19;
	[tilespmem:s13+$0x2400] =	vst v0  }
0x95: {  	s19 =	sor.u32 $0x380, s10;
	s25 =	sshll.u32 s24, $0x10;
	[tilespmem:s16+$0x2400] =	vst v3  }
0x96: {  	s26 =	sor.u32 $0x380, s5;
	s0 =	sadd.s32 s22, s25;
	[tilespmem:s19+$0x2400] =	vst v2  }
0x97: {  	s1 =	sor.u32 $0x380, s1;
	s0 =	sshrl.u32 s0, $0x3;
	[tilespmem:s26+$0x2400] =	vst v4  }
0x98: {  	s0 =	sadd.s32 s2, s0;
	[tilespmem:s1+$0x2400] =	vst v1  }
0x99: {  	[hbm4b:s0+s3] =	stream.linear.scatter [tilespmem:s14], [sflag:$0x1], $0x8000, $0x38;
	[tilespmem:$0x12400] =	vst v63  }
0x9a: {  	s26 =	simm.s32 $0x0;
	s0 =	simm.s32 @!p0 $0x2  }
0x9b: {  	s4 =	sand.u32 $0x60, s26;
	_ =	swait.ge @!p0 [sflag:s0], $0x8000  }
0x9c: {  	s9 =	sand.u32 $0xF80, s26;
	s5 =	sor.u32 $0x10, s4;
	[sflag:s0] =	ssyncset.done @!p0 $0x0  }
0x9d: {  	s10 =	sor.u32 s5, s9;
	[sflag:s0] =	ssyncadd.s32 @!p0 $0xFFFF8000  }
0x9e: {  	v15 =	vld [tilespmem:s10+$0x400]  }
0x9f: {  	s11 =	simm.s32 $0x400  }
0xa0: {  	s25 =	sshllo.u32 s24, $0x1;
	v14 =	vld [tilespmem:s11+$0x0]  }
0xa1: {  	s1 =	sshll.u32 s25, $0x6  }
0xa2: {  	v4 =	vmov s1  }
0xa3: {  	v0 =	vadd.s32 v4, v15;
	_ =	sdelay $0x1  }
0xa4: {  	v1 =	vadd.s32 v4, v14;
	_ =	sdelay $0x1  }
0xa5: {  	s13 =	simm.s32 $0x20;
	s12 =	sor.u32 $0x8, s1  }
0xa6: {  	v5 =	vmov s12;
	s10 =	sand.u32 $0x60, s13;
	v0 =	vld.idx.msk [tilespmem:v0+s3+$0x0], $0xffff  }
0xa7: {  	s0 =	sand.u32 $0xF80, s13;
	s12 =	sor.u32 $0x10, s10;
	v2 =	vadd.s32 v5, v15  }
0xa8: {  	s16 =	sand.u32 $0x7C00, s26;
	s0 =	sor.u32 s12, s0;
	v3 =	vld.idx.msk [tilespmem:v1+s3+$0x0], $0xffff  }
0xa9: {  	s7 =	sadd.s32 $0xA400, s16;
	v7 =	vadd.s32 v5, v14;
	v1 =	vld [tilespmem:s0+$0x400]  }
0xaa: {  	s9 =	sor.u32 s5, s7;
	s5 =	simm.s32 $0x420  }
0xab: {  	s19 =	sor.u32 $0x10, s1;
	[tilespmem:s9+$0x0] =	vst v0;
	v0 =	vld [tilespmem:s5+$0x0]  }
0xac: {  	v6 =	vmov s19;
	s6 =	sor.u32 s4, s7;
	v2 =	vld.idx.msk [tilespmem:v2+s3+$0x0], $0xffff  }
0xad: {  	[tilespmem:s6+$0x0] =	vst v3;
	v3 =	vadd.s32 v6, v15  }
0xae: {  	v10 =	vadd.s32 v4, v1;
	v7 =	vld.idx.msk [tilespmem:v7+s3+$0x0], $0xffff  }
0xaf: {  	v9 =	vadd.s32 v6, v14;
	_ =	sdelay $0x1  }
0xb0: {  	s7 =	sor.u32 $0x18, s1;
	[tilespmem:s9+$0x80] =	vst v2;
	v2 =	vadd.s32 v4, v0  }
0xb1: {  	v8 =	vmov s7;
	v3 =	vld.idx.msk [tilespmem:v3+s3+$0x0], $0xffff  }
0xb2: {  	v10 =	vld.idx.msk [tilespmem:v10+s3+$0x0], $0xffff;
	[tilespmem:s6+$0x80] =	vst v7;
	v7 =	vadd.s32 v8, v15  }
0xb3: {  	s28 =	simm.s32 $0x100;
	v13 =	vadd.s32 v5, v1;
	v11 =	vld.idx.msk [tilespmem:v9+s3+$0x0], $0xffff  }
0xb4: {  	s13 =	sand.u32 $0x7C00, s28;
	v12 =	vadd.s32 v8, v14  }
0xb5: {  	s16 =	simm.s32 $0x440;
	s4 =	sadd.s32 $0xA400, s13;
	v16 =	vld.idx.msk [tilespmem:v2+s3+$0x0], $0xffff  }
0xb6: {  	s11 =	sor.u32 $0x20, s1;
	s13 =	simm.s32 $0x40;
	s31 =	sor.u32 s12, s4;
	v2 =	vld [tilespmem:s16+$0x0];
	[tilespmem:s9+$0x100] =	vst v3  }
0xb7: {  	v17 =	vadd.s32 v5, v0;
	v9 =	vmov s11;
	s11 =	sand.u32 $0x60, s13;
	[tilespmem:s31+$0x0] =	vst v10;
	v7 =	vld.idx.msk [tilespmem:v7+s3+$0x0], $0xffff  }
0xb8: {  	s5 =	sand.u32 $0xF80, s13;
	v18 =	vadd.s32 v9, v15;
	s19 =	sor.u32 $0x10, s11;
	v10 =	vld.idx.msk [tilespmem:v13+s3+$0x0], $0xffff;
	[tilespmem:s6+$0x100] =	vst v11  }
0xb9: {  	s7 =	sor.u32 s19, s5;
	v11 =	vld.idx.msk [tilespmem:v12+s3+$0x0], $0xffff  }
0xba: {  	s30 =	sor.u32 s10, s4;
	v13 =	vadd.s32 v9, v14;
	v3 =	vld [tilespmem:s7+$0x400]  }
0xbb: {  	[tilespmem:s30+$0x0] =	vst v16;
	v16 =	vadd.s32 v6, v1  }
0xbc: {  	s7 =	sor.u32 $0x28, s1;
	v17 =	vld.idx.msk [tilespmem:v17+s3+$0x0], $0xffff;
	[tilespmem:s9+$0x180] =	vst v7;
	v7 =	vadd.s32 v4, v2  }
0xbd: {  	v19 =	vadd.s32 v6, v0;
	v12 =	vmov s7;
	v18 =	vld.idx.msk [tilespmem:v18+s3+$0x0], $0xffff  }
0xbe: {  	v20 =	vadd.s32 v12, v15;
	[tilespmem:s6+$0x180] =	vst v11  }
0xbf: {  	[tilespmem:s31+$0x80] =	vst v10;
	v21 =	vadd.s32 v4, v3;
	v13 =	vld.idx.msk [tilespmem:v13+s3+$0x0], $0xffff  }
0xc0: {  	v10 =	vld.idx.msk [tilespmem:v16+s3+$0x0], $0xffff;
	v16 =	vadd.s32 v12, v14  }
0xc1: {  	[tilespmem:s30+$0x80] =	vst v17;
	v22 =	vld.idx.msk [tilespmem:v7+s3+$0x0], $0xffff;
	v7 =	vadd.s32 v8, v1  }
0xc2: {  	s10 =	sor.u32 $0x30, s1;
	v17 =	vld.idx.msk [tilespmem:v19+s3+$0x0], $0xffff;
	[tilespmem:s9+$0x200] =	vst v18  }
0xc3: {  	v11 =	vmov s10;
	v19 =	vadd.s32 v8, v0;
	v18 =	vld.idx.msk [tilespmem:v20+s3+$0x0], $0xffff  }
0xc4: {  	[tilespmem:s6+$0x200] =	vst v13;
	v13 =	vadd.s32 v11, v15;
	v20 =	vld.idx.msk [tilespmem:v21+s3+$0x0], $0xffff  }
0xc5: {  	s29 =	simm.s32 $0x200;
	v21 =	vadd.s32 v5, v3;
	v16 =	vld.idx.msk [tilespmem:v16+s3+$0x0], $0xffff;
	[tilespmem:s31+$0x100] =	vst v10  }
0xc6: {  	s12 =	sand.u32 $0x7C00, s29;
	s13 =	simm.s32 $0x460;
	v23 =	vld.idx.msk [tilespmem:v7+s3+$0x0], $0xffff  }
0xc7: {  	s4 =	sadd.s32 $0xA400, s12;
	s7 =	simm.s32 $0x60;
	v24 =	vadd.s32 v5, v2;
	v7 =	vld [tilespmem:s13+$0x0];
	[tilespmem:s30+$0x100] =	vst v17  }
0xc8: {  	s0 =	sor.u32 s19, s4;
	s10 =	sand.u32 $0x60, s7;
	v17 =	vld.idx.msk [tilespmem:v19+s3+$0x0], $0xffff;
	v19 =	vadd.s32 v9, v1;
	[tilespmem:s9+$0x280] =	vst v18  }
0xc9: {  	s1 =	sor.u32 $0x38, s1;
	s16 =	sand.u32 $0xF80, s7;
	s19 =	sor.u32 $0x10, s10;
	[tilespmem:s0+$0x0] =	vst v20;
	v18 =	vadd.s32 v11, v14;
	v20 =	vld.idx.msk [tilespmem:v13+s3+$0x0], $0xffff  }
0xca: {  	v25 =	vadd.s32 v9, v0;
	s5 =	sand.u32 $0x3, s26;
	v10 =	vmov s1;
	s1 =	sor.u32 s11, s4;
	s9 =	sor.u32 s19, s16;
	v21 =	vld.idx.msk [tilespmem:v21+s3+$0x0], $0xffff  }
0xcb: {  	s4 =	sshll.u32 s5, $0x5;
	v15 =	vadd.s32 v10, v15;
	[tilespmem:s1+$0x0] =	vst v22;
	v13 =	vld [tilespmem:s9+$0x400]  }
0xcc: {  	v63 =	vadd.s32 v6, v3;
	s4 =	sadd.s32 $0x0, s4;
	v22 =	vld.idx.msk [tilespmem:v24+s3+$0x0], $0xffff;
	[tilespmem:s31+$0x180] =	vst v23  }
0xcd: {  	s11 =	sadd.s32 $0x10, s4;
	[tilespmem:s6+$0x280] =	vst v16;
	v16 =	vadd.s32 v4, v7;
	v19 =	vld.idx.msk [tilespmem:v19+s3+$0x0], $0xffff  }
0xce: {  	s12 =	sor.u32 $0x300, s11;
	v23 =	vadd.s32 v6, v2;
	[tilespmem:s30+$0x180] =	vst v17;
	v17 =	vld.idx.msk [tilespmem:v18+s3+$0x0], $0xffff  }
0xcf: {  	v25 =	vld.idx.msk [tilespmem:v25+s3+$0x0], $0xffff;
	v18 =	vadd.s32 v12, v1;
	[tilespmem:s12+$0xA400] =	vst v20  }
0xd0: {  	v26 =	vadd.s32 v4, v13;
	[tilespmem:s0+$0x80] =	vst v21;
	v27 =	vld.idx.msk [tilespmem:v15+s3+$0x0], $0xffff  }
0xd1: {  	v14 =	vadd.s32 v10, v14;
	v24 =	vld.idx.msk [tilespmem:v63+s3+$0x0], $0xffff  }
0xd2: {  	[tilespmem:s1+$0x80] =	vst v22;
	v15 =	vadd.s32 v12, v0;
	v16 =	vld.idx.msk [tilespmem:v16+s3+$0x0], $0xffff  }
0xd3: {  	v28 =	vadd.s32 v8, v3;
	v20 =	vld.idx.msk [tilespmem:v23+s3+$0x0], $0xffff;
	[tilespmem:s31+$0x200] =	vst v19  }
0xd4: {  	s13 =	sor.u32 $0x300, s4;
	v18 =	vld.idx.msk [tilespmem:v18+s3+$0x0], $0xffff  }
0xd5: {  	v21 =	vadd.s32 v8, v2;
	[tilespmem:s13+$0xA400] =	vst v17;
	v22 =	vld.idx.msk [tilespmem:v26+s3+$0x0], $0xffff  }
0xd6: {  	[tilespmem:s30+$0x200] =	vst v25;
	v17 =	vadd.s32 v11, v1;
	v14 =	vld.idx.msk [tilespmem:v14+s3+$0x0], $0xffff  }
0xd7: {  	s16 =	sor.u32 $0x380, s11;
	s11 =	simm.s32 $0x480;
	s6 =	simm.s32 $0x300;
	v23 =	vadd.s32 v5, v13;
	v15 =	vld.idx.msk [tilespmem:v15+s3+$0x0], $0xffff;
	[tilespmem:s0+$0x100] =	vst v24  }
0xd8: {  	s9 =	sor.u32 $0x380, s4;
	s4 =	sand.u32 $0x7C00, s6;
	s13 =	simm.s32 $0x6;
	[tilespmem:s16+$0xA400] =	vst v27;
	v19 =	vld.idx.msk [tilespmem:v28+s3+$0x0], $0xffff  }
.LBB2_6:
0xd9: {  	v24 =	vld [tilespmem:s11+$0x0];
	s4 =	sadd.s32 $0xA400, s4;
	v25 =	vadd.s32 v5, v7;
	s7 =	sadd.s32 $0x20, s7;
	[tilespmem:s1+$0x100] =	vst v20;
	s26 =	sadd.s32 $0x1, s26  }
0xda: {  	s13 =	sadd.s32 $0x2, s13;
	s12 =	sand.u32 $0x60, s7;
	s16 =	sor.u32 s19, s4;
	v20 =	vld.idx.msk [tilespmem:v21+s3+$0x0], $0xffff;
	v21 =	vadd.s32 v9, v3;
	[tilespmem:s31+$0x280] =	vst v18  }
0xdb: {  	s31 =	sand.u32 $0xF80, s7;
	p0 =	slt.u32 s13, $0xFE;
	v18 =	vadd.s32 v11, v0;
	s19 =	sor.u32 $0x10, s12;
	[tilespmem:s16+$0x0] =	vst v22;
	v17 =	vld.idx.msk [tilespmem:v17+s3+$0x0], $0xffff  }
0xdc: {  	s4 =	sor.u32 s10, s4;
	s10 =	sand.u32 $0x3, s26;
	s31 =	sor.u32 s19, s31;
	v22 =	vld.idx.msk [tilespmem:v23+s3+$0x0], $0xffff;
	v23 =	vadd.s32 v9, v2;
	[tilespmem:s30+$0x280] =	vst v15  }
0xdd: {  	s30 =	sshll.u32 s10, $0x5;
	v15 =	vadd.s32 v10, v1;
	v1 =	vmov v3;
	v3 =	vmov v13;
	s10 =	smov.u32 s12;
	[tilespmem:s4+$0x0] =	vst v16;
	v13 =	vld [tilespmem:s31+$0x400];
	s31 =	smov.u32 s0  }
0xde: {  	v16 =	vadd.s32 v6, v3;
	s12 =	sadd.s32 s30, s28;
	s0 =	smov.u32 s16;
	s30 =	smov.u32 s1;
	v25 =	vld.idx.msk [tilespmem:v25+s3+$0x0], $0xffff;
	[tilespmem:s31+$0x180] =	vst v19  }
0xdf: {  	v19 =	vadd.s32 v4, v24;
	s16 =	sor.u32 $0x300, s12;
	s5 =	sadd.s32 $0x10, s12;
	v21 =	vld.idx.msk [tilespmem:v21+s3+$0x0], $0xffff;
	[tilespmem:s9+$0xA400] =	vst v14;
	s9 =	sor.u32 $0x380, s12  }
0xe0: {  	s1 =	smov.u32 s4;
	s28 =	smov.u32 s29;
	v14 =	vadd.s32 v6, v7;
	s12 =	sor.u32 $0x300, s5;
	[tilespmem:s30+$0x180] =	vst v20;
	v26 =	vld.idx.msk [tilespmem:v18+s3+$0x0], $0xffff  }
0xe1: {  	s29 =	smov.u32 s6;
	v18 =	vadd.s32 v12, v1;
	v23 =	vld.idx.msk [tilespmem:v23+s3+$0x0], $0xffff;
	[tilespmem:s12+$0xA400] =	vst v17  }
0xe2: {  	v17 =	vadd.s32 v4, v13;
	[tilespmem:s0+$0x80] =	vst v22;
	v27 =	vld.idx.msk [tilespmem:v15+s3+$0x0], $0xffff  }
0xe3: {  	v15 =	vadd.s32 v12, v2;
	v28 =	vld.idx.msk [tilespmem:v16+s3+$0x0], $0xffff  }
0xe4: {  	v16 =	vld.idx.msk [tilespmem:v19+s3+$0x0], $0xffff;
	[tilespmem:s1+$0x80] =	vst v25;
	v19 =	vadd.s32 v10, v0;
	v0 =	vmovc v2;
	v2 =	vmov v7;
	v7 =	vmov v24  }
0xe5: {  	v24 =	vadd.s32 v8, v3;
	v20 =	vld.idx.msk [tilespmem:v14+s3+$0x0], $0xffff;
	[tilespmem:s31+$0x200] =	vst v21  }
.Ltmp1:
0xe6: {  	v18 =	vld.idx.msk [tilespmem:v18+s3+$0x0], $0xffff;
	[tilespmem:s16+$0xA400] =	vst v26;
	(pc) =	sbr.rel @p0 .LBB2_6-.Ltmp1, $4  }
0xe7: {  	s4 =	sor.u32 $0x380, s5;
	v21 =	vadd.s32 v8, v2;
	v22 =	vld.idx.msk [tilespmem:v17+s3+$0x0], $0xffff;
	[tilespmem:s30+$0x200] =	vst v23  }
0xe8: {  	v17 =	vadd.s32 v11, v1;
	v15 =	vld.idx.msk [tilespmem:v15+s3+$0x0], $0xffff;
	[tilespmem:s4+$0xA400] =	vst v27  }
0xe9: {  	s6 =	sadd.s32 $0x100, s6;
	v23 =	vadd.s32 v5, v13;
	[tilespmem:s0+$0x100] =	vst v28;
	v14 =	vld.idx.msk [tilespmem:v19+s3+$0x0], $0xffff  }
0xea: {  	s11 =	sadd.s32 $0x20, s11;
	s4 =	sand.u32 $0x7C00, s6;
	v19 =	vld.idx.msk [tilespmem:v24+s3+$0x0], $0xffff  }
0xeb: {  	v4 =	vadd.s32 v5, v7  }
0xec: {  	s4 =	sadd.s32 $0xA400, s4  }
0xed: {  	s11 =	sor.u32 s19, s4  }
0xee: {  	s7 =	sor.u32 s10, s4;
	[tilespmem:s11+$0x0] =	vst v22  }
0xef: {  	[tilespmem:s7+$0x0] =	vst v16;
	v35 =	vld.idx.msk [tilespmem:v23+s3+$0x0], $0xffff  }
0xf0: {  	v36 =	vadd.s32 v6, v13;
	v4 =	vld.idx.msk [tilespmem:v4+s3+$0x0], $0xffff  }
0xf1: {  	v37 =	vadd.s32 v6, v7;
	_ =	sdelay $0x2  }
0xf2: {  	[tilespmem:s11+$0x80] =	vst v35  }
0xf3: {  	v5 =	vld.idx.msk [tilespmem:v36+s3+$0x0], $0xffff;
	[tilespmem:s7+$0x80] =	vst v4  }
0xf4: {  	v38 =	vadd.s32 v8, v13;
	v4 =	vld.idx.msk [tilespmem:v37+s3+$0x0], $0xffff  }
0xf5: {  	v39 =	vadd.s32 v8, v7  }
0xf6: {  	[tilespmem:s1+$0x100] =	vst v20  }
0xf7: {  	v40 =	vld.idx.msk [tilespmem:v21+s3+$0x0], $0xffff  }
0xf8: {  	v42 =	vadd.s32 v9, v2;
	[tilespmem:s11+$0x100] =	vst v5  }
0xf9: {  	v41 =	vadd.s32 v9, v3;
	v6 =	vld.idx.msk [tilespmem:v38+s3+$0x0], $0xffff;
	[tilespmem:s7+$0x100] =	vst v4  }
0xfa: {  	v43 =	vadd.s32 v9, v13;
	v4 =	vld.idx.msk [tilespmem:v39+s3+$0x0], $0xffff  }
0xfb: {  	v44 =	vadd.s32 v9, v7  }
0xfc: {  	[tilespmem:s1+$0x180] =	vst v40  }
0xfd: {  	[tilespmem:s0+$0x180] =	vst v19;
	v5 =	vld.idx.msk [tilespmem:v42+s3+$0x0], $0xffff  }
0xfe: {  	v46 =	vadd.s32 v12, v2;
	v19 =	vld.idx.msk [tilespmem:v41+s3+$0x0], $0xffff;
	[tilespmem:s11+$0x180] =	vst v6  }
0xff: {  	v45 =	vadd.s32 v12, v3;
	v8 =	vld.idx.msk [tilespmem:v43+s3+$0x0], $0xffff;
	[tilespmem:s7+$0x180] =	vst v4  }
0x100: {  	v47 =	vadd.s32 v12, v13;
	v4 =	vld.idx.msk [tilespmem:v44+s3+$0x0], $0xffff  }
0x101: {  	[tilespmem:s31+$0x280] =	vst v18;
	v48 =	vadd.s32 v12, v7  }
0x102: {  	v49 =	vadd.s32 v11, v0;
	[tilespmem:s1+$0x200] =	vst v5  }
0x103: {  	[tilespmem:s0+$0x200] =	vst v19;
	v5 =	vld.idx.msk [tilespmem:v46+s3+$0x0], $0xffff  }
0x104: {  	v51 =	vadd.s32 v11, v2;
	v16 =	vld.idx.msk [tilespmem:v45+s3+$0x0], $0xffff;
	[tilespmem:s11+$0x200] =	vst v8  }
0x105: {  	v50 =	vadd.s32 v11, v3;
	v9 =	vld.idx.msk [tilespmem:v47+s3+$0x0], $0xffff;
	[tilespmem:s7+$0x200] =	vst v4  }
0x106: {  	s26 =	sadd.s32 $0x1, s26;
	v52 =	vadd.s32 v11, v13;
	[tilespmem:s30+$0x280] =	vst v15;
	v4 =	vld.idx.msk [tilespmem:v48+s3+$0x0], $0xffff  }
0x107: {  	v54 =	vadd.s32 v11, v7;
	s5 =	sand.u32 $0x3, s26;
	[tilespmem:s9+$0xA400] =	vst v14;
	v55 =	vld.idx.msk [tilespmem:v49+s3+$0x0], $0xffff  }
0x108: {  	v56 =	vadd.s32 v10, v0;
	v53 =	vld.idx.msk [tilespmem:v17+s3+$0x0], $0xffff;
	s5 =	sshll.u32 s5, $0x5;
	[tilespmem:s1+$0x280] =	vst v5  }
0x109: {  	v1 =	vadd.s32 v10, v1;
	s4 =	sadd.s32 $0x1, s26;
	[tilespmem:s0+$0x280] =	vst v16;
	s0 =	sadd.s32 s5, s28;
	v5 =	vld.idx.msk [tilespmem:v51+s3+$0x0], $0xffff  }
0x10a: {  	v58 =	vadd.s32 v10, v2;
	s28 =	sand.u32 $0x3, s4;
	s4 =	sadd.s32 $0x1, s4;
	s30 =	sadd.s32 $0x10, s0;
	v6 =	vld.idx.msk [tilespmem:v50+s3+$0x0], $0xffff;
	[tilespmem:s11+$0x280] =	vst v9  }
0x10b: {  	v57 =	vadd.s32 v10, v3;
	s5 =	sshll.u32 s28, $0x5;
	s4 =	sand.u32 $0x3, s4;
	s10 =	sor.u32 $0x300, s0;
	v59 =	vld.idx.msk [tilespmem:v52+s3+$0x0], $0xffff;
	[tilespmem:s7+$0x280] =	vst v4  }
0x10c: {  	v60 =	vadd.s32 v10, v13;
	s31 =	sor.u32 $0x300, s30;
	s5 =	sadd.s32 s5, s29;
	s4 =	sshll.u32 s4, $0x5;
	[tilespmem:s10+$0xA400] =	vst v55;
	v61 =	vld.idx.msk [tilespmem:v54+s3+$0x0], $0xffff  }
0x10d: {  	v62 =	vadd.s32 v10, v7;
	[tilespmem:s31+$0xA400] =	vst v53;
	s4 =	sadd.s32 s4, s6;
	v0 =	vld.idx.msk [tilespmem:v56+s3+$0x0], $0xffff;
	s13 =	sor.u32 $0x300, s5;
	s11 =	sadd.s32 $0x10, s5  }
0x10e: {  	v1 =	vld.idx.msk [tilespmem:v1+s3+$0x0], $0xffff;
	s16 =	sadd.s32 $0x10, s4;
	[tilespmem:s13+$0xA400] =	vst v5;
	s12 =	sor.u32 $0x300, s11  }
0x10f: {  	s19 =	sor.u32 $0x300, s16;
	v2 =	vld.idx.msk [tilespmem:v58+s3+$0x0], $0xffff;
	[tilespmem:s12+$0xA400] =	vst v6  }
0x110: {  	s26 =	sor.u32 $0x300, s4;
	v3 =	vld.idx.msk [tilespmem:v57+s3+$0x0], $0xffff;
	[tilespmem:s19+$0xA400] =	vst v59  }
0x111: {  	s0 =	sor.u32 $0x380, s0;
	v4 =	vld.idx.msk [tilespmem:v60+s3+$0x0], $0xffff;
	[tilespmem:s26+$0xA400] =	vst v61  }
0x112: {  	s24 =	sadd.s32 $0x1, s24;
	[tilespmem:s0+$0xA400] =	vst v0;
	s1 =	sor.u32 $0x380, s30;
	v63 =	vld.idx.msk [tilespmem:v62+s3+$0x0], $0xffff  }
0x113: {  	p0 =	sne.s32 s24, $0x8;
	s29 =	sor.u32 $0x380, s5;
	[tilespmem:s1+$0xA400] =	vst v1  }
.Ltmp2:
0x114: {  	s30 =	sshll.u32 s25, $0xF;
	s28 =	sor.u32 $0x380, s11;
	[tilespmem:s29+$0xA400] =	vst v2;
	(pc) =	sbr.rel @p0 .LBB2_3-.Ltmp2, $4  }
0x115: {  	s31 =	sor.u32 $0x380, s16;
	s0 =	sadd.s32 s22, s30;
	[tilespmem:s28+$0xA400] =	vst v3  }
0x116: {  	s4 =	sor.u32 $0x380, s4;
	s0 =	sshrl.u32 s0, $0x3;
	[tilespmem:s31+$0xA400] =	vst v4  }
0x117: {  	s0 =	sadd.s32 s2, s0;
	[tilespmem:s4+$0xA400] =	vst v63  }
0x118: {  	[hbm4b:s0+s3] =	stream.linear.scatter [tilespmem:s15], [sflag:$0x2], $0x8000, $0x38;
	[tilespmem:$0x12400] =	vst v63  }
0x119: {  	s4 =	simm.s32 $0x4  }
0x11a: {  	_ =	swait.ge [sflag:s4], $0x1000  }
0x11b: {  	s0 =	sadd.s32 $0x40, s21;
	s31 =	smov.u32 s8;
	s1 =	rddreg [dreg:$0x6]  }
0x11c: {  	s21 =	simm.s32 $0x0;
	s30 =	simm.s32 $0x400;
	s0 =	smin.u32 s0, s1  }
0x11d: {  	s22 =	sor.u32 $0x1000000, s22;
	[sflag:s4] =	ssyncset.done $0x0;
	s0 =	sshll.u32 s0, $0x9  }
0x11e: {  	s23 =	simm.s32 $0x0;
	[sflag:s4] =	ssyncadd.s32 $0xFFFFF000;
	s0 =	sadd.s32 s8, s0  }
0x11f: {  	[tilespmem:s30], [sflag:$0x3] =	stream.linear.gather [hbm4b:s0+s21], $0x1000, $0x38;
	[tilespmem:$0x12400] =	vst v63  }
.LBB2_9:
0x120: {  	_ =	swait.ge [sflag:s17], $0x8000;
	s1 =	sand.u32 $0x60, s21  }
0x121: {  	s0 =	sand.u32 $0xF80, s21;
	[sflag:s17] =	ssyncset.done $0x0;
	s4 =	sor.u32 $0x10, s1  }
0x122: {  	[sflag:s17] =	ssyncadd.s32 $0xFFFF8000;
	s0 =	sor.u32 s4, s0  }
0x123: {  	v15 =	vld [tilespmem:s0+$0x1400]  }
0x124: {  	s19 =	simm.s32 $0x1400  }
0x125: {  	v14 =	vld [tilespmem:s19+$0x0]  }
0x126: {  	s0 =	sshll.u32 s23, $0x7  }
0x127: {  	v4 =	vmov s0  }
0x128: {  	v0 =	vadd.s32 v4, v15;
	_ =	sdelay $0x1  }
0x129: {  	v1 =	vadd.s32 v4, v14;
	_ =	sdelay $0x1  }
0x12a: {  	s24 =	simm.s32 $0x20;
	s5 =	sor.u32 $0x8, s0  }
0x12b: {  	s7 =	sand.u32 $0x60, s24;
	v5 =	vmov s5;
	v0 =	vld.idx.msk [tilespmem:v0+s3+$0x0], $0xffff  }
0x12c: {  	s11 =	sor.u32 $0x10, s7;
	s5 =	sand.u32 $0xF80, s24;
	v2 =	vadd.s32 v5, v15  }
0x12d: {  	s6 =	sand.u32 $0x7C00, s21;
	s25 =	sor.u32 s11, s5;
	v3 =	vld.idx.msk [tilespmem:v1+s3+$0x0], $0xffff  }
0x12e: {  	s6 =	sadd.s32 $0x2400, s6;
	v7 =	vadd.s32 v5, v14;
	v1 =	vld [tilespmem:s25+$0x1400]  }
0x12f: {  	s9 =	sor.u32 s4, s6;
	s5 =	simm.s32 $0x1420  }
0x130: {  	s26 =	sor.u32 $0x10, s0;
	[tilespmem:s9+$0x0] =	vst v0;
	v0 =	vld [tilespmem:s5+$0x0]  }
0x131: {  	s1 =	sor.u32 s1, s6;
	v6 =	vmov s26;
	v2 =	vld.idx.msk [tilespmem:v2+s3+$0x0], $0xffff  }
0x132: {  	[tilespmem:s1+$0x0] =	vst v3;
	v3 =	vadd.s32 v6, v15  }
0x133: {  	v10 =	vadd.s32 v4, v1;
	v7 =	vld.idx.msk [tilespmem:v7+s3+$0x0], $0xffff  }
0x134: {  	v9 =	vadd.s32 v6, v14;
	_ =	sdelay $0x1  }
0x135: {  	s8 =	sor.u32 $0x18, s0;
	[tilespmem:s9+$0x80] =	vst v2;
	v2 =	vadd.s32 v4, v0  }
0x136: {  	v8 =	vmov s8;
	v3 =	vld.idx.msk [tilespmem:v3+s3+$0x0], $0xffff  }
0x137: {  	v10 =	vld.idx.msk [tilespmem:v10+s3+$0x0], $0xffff;
	[tilespmem:s1+$0x80] =	vst v7;
	v7 =	vadd.s32 v8, v15  }
0x138: {  	s24 =	simm.s32 $0x100;
	v13 =	vadd.s32 v5, v1;
	v11 =	vld.idx.msk [tilespmem:v9+s3+$0x0], $0xffff  }
0x139: {  	s13 =	sand.u32 $0x7C00, s24;
	v12 =	vadd.s32 v8, v14  }
0x13a: {  	s16 =	simm.s32 $0x1440;
	s5 =	sadd.s32 $0x2400, s13;
	v16 =	vld.idx.msk [tilespmem:v2+s3+$0x0], $0xffff  }
0x13b: {  	s12 =	simm.s32 $0x40;
	s10 =	sor.u32 $0x20, s0;
	s28 =	sor.u32 s11, s5;
	v2 =	vld [tilespmem:s16+$0x0];
	[tilespmem:s9+$0x100] =	vst v3  }
0x13c: {  	v17 =	vadd.s32 v5, v0;
	v9 =	vmov s10;
	s10 =	sand.u32 $0x60, s12;
	[tilespmem:s28+$0x0] =	vst v10;
	v7 =	vld.idx.msk [tilespmem:v7+s3+$0x0], $0xffff  }
0x13d: {  	s8 =	sand.u32 $0xF80, s12;
	v18 =	vadd.s32 v9, v15;
	s19 =	sor.u32 $0x10, s10;
	v10 =	vld.idx.msk [tilespmem:v13+s3+$0x0], $0xffff;
	[tilespmem:s1+$0x100] =	vst v11  }
0x13e: {  	s6 =	sor.u32 s19, s8;
	v11 =	vld.idx.msk [tilespmem:v12+s3+$0x0], $0xffff  }
0x13f: {  	s26 =	sor.u32 s7, s5;
	v13 =	vadd.s32 v9, v14;
	v3 =	vld [tilespmem:s6+$0x1400]  }
0x140: {  	[tilespmem:s26+$0x0] =	vst v16;
	v16 =	vadd.s32 v6, v1  }
0x141: {  	s11 =	sor.u32 $0x28, s0;
	v17 =	vld.idx.msk [tilespmem:v17+s3+$0x0], $0xffff;
	[tilespmem:s9+$0x180] =	vst v7;
	v7 =	vadd.s32 v4, v2  }
0x142: {  	v19 =	vadd.s32 v6, v0;
	v12 =	vmov s11;
	v18 =	vld.idx.msk [tilespmem:v18+s3+$0x0], $0xffff  }
0x143: {  	v20 =	vadd.s32 v12, v15;
	[tilespmem:s1+$0x180] =	vst v11  }
0x144: {  	[tilespmem:s28+$0x80] =	vst v10;
	v21 =	vadd.s32 v4, v3;
	v13 =	vld.idx.msk [tilespmem:v13+s3+$0x0], $0xffff  }
0x145: {  	v10 =	vld.idx.msk [tilespmem:v16+s3+$0x0], $0xffff;
	v16 =	vadd.s32 v12, v14  }
0x146: {  	[tilespmem:s26+$0x80] =	vst v17;
	v22 =	vld.idx.msk [tilespmem:v7+s3+$0x0], $0xffff;
	v7 =	vadd.s32 v8, v1  }
0x147: {  	v17 =	vld.idx.msk [tilespmem:v19+s3+$0x0], $0xffff;
	[tilespmem:s9+$0x200] =	vst v18  }
0x148: {  	s12 =	sor.u32 $0x30, s0;
	v19 =	vadd.s32 v8, v0;
	v18 =	vld.idx.msk [tilespmem:v20+s3+$0x0], $0xffff  }
0x149: {  	s25 =	simm.s32 $0x200;
	v24 =	vadd.s32 v5, v2;
	v11 =	vmov s12;
	[tilespmem:s1+$0x200] =	vst v13;
	v20 =	vld.idx.msk [tilespmem:v21+s3+$0x0], $0xffff  }
0x14a: {  	s13 =	sand.u32 $0x7C00, s25;
	v13 =	vadd.s32 v11, v15;
	v16 =	vld.idx.msk [tilespmem:v16+s3+$0x0], $0xffff;
	[tilespmem:s28+$0x100] =	vst v10  }
0x14b: {  	s5 =	sadd.s32 $0x2400, s13;
	s0 =	sor.u32 $0x38, s0;
	s16 =	simm.s32 $0x1460;
	v21 =	vadd.s32 v5, v3;
	v23 =	vld.idx.msk [tilespmem:v7+s3+$0x0], $0xffff  }
0x14c: {  	v10 =	vmov s0;
	s0 =	sor.u32 s10, s5;
	v7 =	vld [tilespmem:s16+$0x0];
	[tilespmem:s26+$0x100] =	vst v17  }
0x14d: {  	s6 =	simm.s32 $0x60;
	[tilespmem:s0+$0x0] =	vst v22;
	v17 =	vld.idx.msk [tilespmem:v19+s3+$0x0], $0xffff;
	v19 =	vadd.s32 v9, v1  }
0x14e: {  	s29 =	sor.u32 s19, s5;
	s7 =	sand.u32 $0x60, s6;
	v22 =	vld.idx.msk [tilespmem:v24+s3+$0x0], $0xffff;
	[tilespmem:s9+$0x280] =	vst v18;
	v18 =	vadd.s32 v11, v14  }
0x14f: {  	v25 =	vadd.s32 v9, v0;
	s8 =	sand.u32 $0x3, s21;
	s19 =	sand.u32 $0xF80, s6;
	s9 =	sor.u32 $0x10, s7;
	[tilespmem:s29+$0x0] =	vst v20;
	v20 =	vld.idx.msk [tilespmem:v13+s3+$0x0], $0xffff  }
0x150: {  	s10 =	sshll.u32 s8, $0x5;
	v15 =	vadd.s32 v10, v15;
	s4 =	sor.u32 s9, s19;
	v21 =	vld.idx.msk [tilespmem:v21+s3+$0x0], $0xffff  }
0x151: {  	v63 =	vadd.s32 v6, v3;
	v13 =	vld [tilespmem:s4+$0x1400];
	s4 =	sadd.s32 $0x0, s10;
	[tilespmem:s28+$0x180] =	vst v23  }
0x152: {  	[tilespmem:s1+$0x280] =	vst v16;
	v16 =	vadd.s32 v4, v7;
	s11 =	sadd.s32 $0x10, s4;
	v19 =	vld.idx.msk [tilespmem:v19+s3+$0x0], $0xffff  }
0x153: {  	v23 =	vadd.s32 v6, v2;
	[tilespmem:s26+$0x180] =	vst v17;
	s12 =	sor.u32 $0x300, s11;
	v17 =	vld.idx.msk [tilespmem:v18+s3+$0x0], $0xffff  }
0x154: {  	v25 =	vld.idx.msk [tilespmem:v25+s3+$0x0], $0xffff;
	v18 =	vadd.s32 v12, v1;
	[tilespmem:s12+$0x2400] =	vst v20  }
0x155: {  	v14 =	vadd.s32 v10, v14;
	[tilespmem:s29+$0x80] =	vst v21;
	v27 =	vld.idx.msk [tilespmem:v15+s3+$0x0], $0xffff  }
0x156: {  	v26 =	vadd.s32 v4, v13;
	v24 =	vld.idx.msk [tilespmem:v63+s3+$0x0], $0xffff  }
0x157: {  	[tilespmem:s0+$0x80] =	vst v22;
	v15 =	vadd.s32 v12, v0;
	v16 =	vld.idx.msk [tilespmem:v16+s3+$0x0], $0xffff  }
0x158: {  	v28 =	vadd.s32 v8, v3;
	s13 =	sor.u32 $0x300, s4;
	v20 =	vld.idx.msk [tilespmem:v23+s3+$0x0], $0xffff;
	[tilespmem:s28+$0x200] =	vst v19  }
0x159: {  	v18 =	vld.idx.msk [tilespmem:v18+s3+$0x0], $0xffff;
	[tilespmem:s13+$0x2400] =	vst v17  }
0x15a: {  	v21 =	vadd.s32 v8, v2;
	v14 =	vld.idx.msk [tilespmem:v14+s3+$0x0], $0xffff  }
0x15b: {  	s19 =	simm.s32 $0x6;
	[tilespmem:s26+$0x200] =	vst v25;
	v17 =	vadd.s32 v11, v1;
	v22 =	vld.idx.msk [tilespmem:v26+s3+$0x0], $0xffff  }
0x15c: {  	s1 =	simm.s32 $0x300;
	s10 =	simm.s32 $0x0;
	s16 =	sor.u32 $0x380, s11;
	v23 =	vadd.s32 v5, v13;
	v15 =	vld.idx.msk [tilespmem:v15+s3+$0x0], $0xffff;
	[tilespmem:s29+$0x100] =	vst v24  }
0x15d: {  	s30 =	sor.u32 $0x380, s4;
	s11 =	sand.u32 $0x7C00, s1;
	s13 =	simm.s32 $0x1480;
	[tilespmem:s16+$0x2400] =	vst v27;
	v19 =	vld.idx.msk [tilespmem:v28+s3+$0x0], $0xffff  }
.LBB2_10:
0x15e: {  	v24 =	vld [tilespmem:s13+$0x0];
	s4 =	sadd.s32 $0x2400, s11;
	v25 =	vadd.s32 v5, v7;
	s6 =	sadd.s32 $0x20, s6;
	[tilespmem:s0+$0x100] =	vst v20;
	s10 =	sadd.s32 $0x1, s10  }
0x15f: {  	s19 =	sadd.s32 $0x2, s19;
	s5 =	sand.u32 $0x60, s6;
	s11 =	sor.u32 s9, s4;
	v20 =	vld.idx.msk [tilespmem:v21+s3+$0x0], $0xffff;
	v21 =	vadd.s32 v9, v3;
	[tilespmem:s28+$0x280] =	vst v18  }
0x160: {  	s12 =	sand.u32 $0xF80, s6;
	p0 =	slt.u32 s19, $0xFE;
	v18 =	vadd.s32 v11, v0;
	s9 =	sor.u32 $0x10, s5;
	[tilespmem:s11+$0x0] =	vst v22;
	v17 =	vld.idx.msk [tilespmem:v17+s3+$0x0], $0xffff  }
0x161: {  	s4 =	sor.u32 s7, s4;
	s7 =	sand.u32 $0x3, s10;
	s12 =	sor.u32 s9, s12;
	v22 =	vld.idx.msk [tilespmem:v23+s3+$0x0], $0xffff;
	v23 =	vadd.s32 v9, v2;
	[tilespmem:s26+$0x280] =	vst v15  }
0x162: {  	s28 =	smov.u32 s29;
	s16 =	sshll.u32 s7, $0x5;
	s7 =	smov.u32 s5;
	v15 =	vadd.s32 v10, v1;
	v1 =	vmov v3;
	v3 =	vmov v13;
	[tilespmem:s4+$0x0] =	vst v16;
	v13 =	vld [tilespmem:s12+$0x1400]  }
0x163: {  	s29 =	smov.u32 s11;
	s5 =	sadd.s32 s16, s24;
	s26 =	smov.u32 s0;
	v16 =	vadd.s32 v6, v3;
	v25 =	vld.idx.msk [tilespmem:v25+s3+$0x0], $0xffff;
	[tilespmem:s28+$0x180] =	vst v19  }
0x164: {  	s11 =	sor.u32 $0x300, s5;
	s12 =	sadd.s32 $0x10, s5;
	v19 =	vadd.s32 v4, v24;
	v21 =	vld.idx.msk [tilespmem:v21+s3+$0x0], $0xffff;
	[tilespmem:s30+$0x2400] =	vst v14;
	s30 =	sor.u32 $0x380, s5  }
0x165: {  	s0 =	smov.u32 s4;
	s24 =	smov.u32 s25;
	v14 =	vadd.s32 v6, v7;
	s5 =	sor.u32 $0x300, s12;
	[tilespmem:s26+$0x180] =	vst v20;
	v26 =	vld.idx.msk [tilespmem:v18+s3+$0x0], $0xffff  }
0x166: {  	s25 =	smov.u32 s1;
	v18 =	vadd.s32 v12, v1;
	v23 =	vld.idx.msk [tilespmem:v23+s3+$0x0], $0xffff;
	[tilespmem:s5+$0x2400] =	vst v17  }
0x167: {  	v17 =	vadd.s32 v4, v13;
	[tilespmem:s29+$0x80] =	vst v22;
	v27 =	vld.idx.msk [tilespmem:v15+s3+$0x0], $0xffff  }
0x168: {  	v15 =	vadd.s32 v12, v2;
	v28 =	vld.idx.msk [tilespmem:v16+s3+$0x0], $0xffff  }
0x169: {  	v16 =	vld.idx.msk [tilespmem:v19+s3+$0x0], $0xffff;
	[tilespmem:s0+$0x80] =	vst v25;
	v19 =	vadd.s32 v10, v0;
	v0 =	vmovc v2;
	v2 =	vmov v7;
	v7 =	vmov v24  }
0x16a: {  	v24 =	vadd.s32 v8, v3;
	v20 =	vld.idx.msk [tilespmem:v14+s3+$0x0], $0xffff;
	[tilespmem:s28+$0x200] =	vst v21  }
.Ltmp3:
0x16b: {  	v18 =	vld.idx.msk [tilespmem:v18+s3+$0x0], $0xffff;
	[tilespmem:s11+$0x2400] =	vst v26;
	(pc) =	sbr.rel @p0 .LBB2_10-.Ltmp3, $4  }
0x16c: {  	s4 =	sor.u32 $0x380, s12;
	v21 =	vadd.s32 v8, v2;
	v22 =	vld.idx.msk [tilespmem:v17+s3+$0x0], $0xffff;
	[tilespmem:s26+$0x200] =	vst v23  }
0x16d: {  	v17 =	vadd.s32 v11, v1;
	v15 =	vld.idx.msk [tilespmem:v15+s3+$0x0], $0xffff;
	[tilespmem:s4+$0x2400] =	vst v27  }
0x16e: {  	s1 =	sadd.s32 $0x100, s1;
	v23 =	vadd.s32 v5, v13;
	[tilespmem:s29+$0x100] =	vst v28;
	v14 =	vld.idx.msk [tilespmem:v19+s3+$0x0], $0xffff  }
0x16f: {  	s13 =	sadd.s32 $0x20, s13;
	s11 =	sand.u32 $0x7C00, s1;
	v19 =	vld.idx.msk [tilespmem:v24+s3+$0x0], $0xffff  }
0x170: {  	v4 =	vadd.s32 v5, v7  }
0x171: {  	s4 =	sadd.s32 $0x2400, s11  }
0x172: {  	s9 =	sor.u32 s9, s4  }
0x173: {  	s6 =	sor.u32 s7, s4;
	[tilespmem:s9+$0x0] =	vst v22  }
0x174: {  	[tilespmem:s6+$0x0] =	vst v16;
	v5 =	vld.idx.msk [tilespmem:v23+s3+$0x0], $0xffff  }
0x175: {  	v16 =	vadd.s32 v6, v13;
	v4 =	vld.idx.msk [tilespmem:v4+s3+$0x0], $0xffff  }
0x176: {  	v6 =	vadd.s32 v6, v7;
	_ =	sdelay $0x2  }
0x177: {  	[tilespmem:s9+$0x80] =	vst v5  }
0x178: {  	v5 =	vld.idx.msk [tilespmem:v16+s3+$0x0], $0xffff;
	[tilespmem:s6+$0x80] =	vst v4  }
0x179: {  	v4 =	vld.idx.msk [tilespmem:v6+s3+$0x0], $0xffff;
	v6 =	vadd.s32 v8, v13  }
0x17a: {  	v8 =	vadd.s32 v8, v7;
	_ =	sdelay $0x1  }
0x17b: {  	[tilespmem:s0+$0x100] =	vst v20  }
0x17c: {  	v20 =	vadd.s32 v9, v3;
	v16 =	vld.idx.msk [tilespmem:v21+s3+$0x0], $0xffff;
	[tilespmem:s9+$0x100] =	vst v5  }
0x17d: {  	v5 =	vadd.s32 v9, v2;
	v6 =	vld.idx.msk [tilespmem:v6+s3+$0x0], $0xffff;
	[tilespmem:s6+$0x100] =	vst v4  }
0x17e: {  	v4 =	vld.idx.msk [tilespmem:v8+s3+$0x0], $0xffff;
	v8 =	vadd.s32 v9, v13  }
0x17f: {  	v9 =	vadd.s32 v9, v7  }
0x180: {  	[tilespmem:s29+$0x180] =	vst v19  }
0x181: {  	v19 =	vld.idx.msk [tilespmem:v20+s3+$0x0], $0xffff;
	[tilespmem:s0+$0x180] =	vst v16  }
0x182: {  	v16 =	vadd.s32 v12, v3;
	v5 =	vld.idx.msk [tilespmem:v5+s3+$0x0], $0xffff;
	[tilespmem:s9+$0x180] =	vst v6  }
0x183: {  	v6 =	vadd.s32 v12, v2;
	v8 =	vld.idx.msk [tilespmem:v8+s3+$0x0], $0xffff;
	[tilespmem:s6+$0x180] =	vst v4  }
0x184: {  	v4 =	vld.idx.msk [tilespmem:v9+s3+$0x0], $0xffff;
	v9 =	vadd.s32 v12, v13  }
0x185: {  	[tilespmem:s28+$0x280] =	vst v18;
	v12 =	vadd.s32 v12, v7  }
0x186: {  	[tilespmem:s29+$0x200] =	vst v19  }
0x187: {  	v18 =	vadd.s32 v11, v0;
	v16 =	vld.idx.msk [tilespmem:v16+s3+$0x0], $0xffff;
	[tilespmem:s0+$0x200] =	vst v5  }
0x188: {  	v5 =	vld.idx.msk [tilespmem:v6+s3+$0x0], $0xffff;
	v6 =	vadd.s32 v11, v3;
	[tilespmem:s9+$0x200] =	vst v8  }
0x189: {  	v8 =	vadd.s32 v11, v2;
	v9 =	vld.idx.msk [tilespmem:v9+s3+$0x0], $0xffff;
	[tilespmem:s6+$0x200] =	vst v4  }
0x18a: {  	s11 =	sadd.s32 $0x1, s10;
	[tilespmem:s26+$0x280] =	vst v15;
	v4 =	vld.idx.msk [tilespmem:v12+s3+$0x0], $0xffff;
	v12 =	vadd.s32 v11, v13  }
0x18b: {  	s5 =	sand.u32 $0x3, s11;
	v15 =	vld.idx.msk [tilespmem:v17+s3+$0x0], $0xffff;
	[tilespmem:s30+$0x2400] =	vst v14;
	v11 =	vadd.s32 v11, v7  }
0x18c: {  	v1 =	vadd.s32 v10, v1;
	s4 =	sadd.s32 $0x1, s11;
	s5 =	sshll.u32 s5, $0x5;
	v14 =	vld.idx.msk [tilespmem:v18+s3+$0x0], $0xffff;
	[tilespmem:s29+$0x280] =	vst v16  }
0x18d: {  	v0 =	vadd.s32 v10, v0;
	s12 =	sand.u32 $0x3, s4;
	s5 =	sadd.s32 s5, s24;
	v6 =	vld.idx.msk [tilespmem:v6+s3+$0x0], $0xffff;
	[tilespmem:s0+$0x280] =	vst v5  }
0x18e: {  	s4 =	sadd.s32 $0x1, s4;
	s7 =	sshll.u32 s12, $0x5;
	s13 =	sadd.s32 $0x10, s5;
	v3 =	vadd.s32 v10, v3;
	v5 =	vld.idx.msk [tilespmem:v8+s3+$0x0], $0xffff;
	[tilespmem:s9+$0x280] =	vst v9  }
0x18f: {  	s4 =	sand.u32 $0x3, s4;
	s7 =	sadd.s32 s7, s25;
	s16 =	sor.u32 $0x300, s13;
	v2 =	vadd.s32 v10, v2;
	v8 =	vld.idx.msk [tilespmem:v12+s3+$0x0], $0xffff;
	[tilespmem:s6+$0x280] =	vst v4  }
0x190: {  	s19 =	sor.u32 $0x300, s5;
	s4 =	sshll.u32 s4, $0x5;
	s24 =	sadd.s32 $0x10, s7;
	[tilespmem:s16+$0x2400] =	vst v15;
	v4 =	vadd.s32 v10, v13;
	v9 =	vld.idx.msk [tilespmem:v11+s3+$0x0], $0xffff  }
0x191: {  	s1 =	sadd.s32 s4, s1;
	s25 =	sor.u32 $0x300, s24;
	v1 =	vld.idx.msk [tilespmem:v1+s3+$0x0], $0xffff;
	[tilespmem:s19+$0x2400] =	vst v14;
	v7 =	vadd.s32 v10, v7  }
0x192: {  	s26 =	sor.u32 $0x300, s7;
	s8 =	sadd.s32 $0x10, s1;
	v0 =	vld.idx.msk [tilespmem:v0+s3+$0x0], $0xffff;
	[tilespmem:s25+$0x2400] =	vst v6  }
0x193: {  	s11 =	sor.u32 $0x300, s8;
	v3 =	vld.idx.msk [tilespmem:v3+s3+$0x0], $0xffff;
	[tilespmem:s26+$0x2400] =	vst v5  }
0x194: {  	s12 =	sor.u32 $0x300, s1;
	v2 =	vld.idx.msk [tilespmem:v2+s3+$0x0], $0xffff;
	[tilespmem:s11+$0x2400] =	vst v8  }
0x195: {  	s0 =	sor.u32 $0x380, s13;
	v4 =	vld.idx.msk [tilespmem:v4+s3+$0x0], $0xffff;
	[tilespmem:s12+$0x2400] =	vst v9  }
0x196: {  	s13 =	sor.u32 $0x380, s5;
	[tilespmem:s0+$0x2400] =	vst v1;
	v1 =	vld.idx.msk [tilespmem:v7+s3+$0x0], $0xffff  }
0x197: {  	s16 =	sor.u32 $0x380, s24;
	[tilespmem:s13+$0x2400] =	vst v0  }
0x198: {  	s24 =	sshll.u32 s23, $0x10;
	s19 =	sor.u32 $0x380, s7;
	[tilespmem:s16+$0x2400] =	vst v3  }
0x199: {  	s0 =	sadd.s32 s22, s24;
	s25 =	sor.u32 $0x380, s8;
	[tilespmem:s19+$0x2400] =	vst v2  }
0x19a: {  	s1 =	sor.u32 $0x380, s1;
	s0 =	sshrl.u32 s0, $0x3;
	[tilespmem:s25+$0x2400] =	vst v4  }
0x19b: {  	s0 =	sadd.s32 s2, s0;
	s25 =	simm.s32 $0x0;
	[tilespmem:s1+$0x2400] =	vst v1  }
0x19c: {  	[hbm4b:s0+s25] =	stream.linear.scatter [tilespmem:s14], [sflag:$0x1], $0x8000, $0x38;
	[tilespmem:$0x12400] =	vst v63  }
0x19d: {  	s0 =	sand.u32 $0x60, s25;
	_ =	swait.ge [sflag:s18], $0x8000  }
0x19e: {  	s8 =	sand.u32 $0xF80, s25;
	s26 =	sor.u32 $0x10, s0;
	[sflag:s18] =	ssyncset.done $0x0  }
0x19f: {  	s1 =	sor.u32 s26, s8;
	[sflag:s18] =	ssyncadd.s32 $0xFFFF8000  }
0x1a0: {  	v15 =	vld [tilespmem:s1+$0x1400]  }
0x1a1: {  	s9 =	simm.s32 $0x1400  }
0x1a2: {  	s24 =	sshllo.u32 s23, $0x1;
	v14 =	vld [tilespmem:s9+$0x0]  }
0x1a3: {  	s1 =	sshll.u32 s24, $0x6  }
0x1a4: {  	v4 =	vmov s1  }
0x1a5: {  	v0 =	vadd.s32 v4, v15;
	_ =	sdelay $0x1  }
0x1a6: {  	v1 =	vadd.s32 v4, v14;
	_ =	sdelay $0x1  }
0x1a7: {  	s11 =	simm.s32 $0x20;
	s10 =	sor.u32 $0x8, s1  }
0x1a8: {  	s7 =	sand.u32 $0x60, s11;
	v5 =	vmov s10;
	v0 =	vld.idx.msk [tilespmem:v0+s3+$0x0], $0xffff  }
0x1a9: {  	s5 =	sand.u32 $0xF80, s11;
	s13 =	sor.u32 $0x10, s7;
	v2 =	vadd.s32 v5, v15  }
0x1aa: {  	s16 =	sor.u32 s13, s5;
	s12 =	sand.u32 $0x7C00, s25;
	v3 =	vld.idx.msk [tilespmem:v1+s3+$0x0], $0xffff  }
0x1ab: {  	s6 =	sadd.s32 $0xA400, s12;
	v7 =	vadd.s32 v5, v14;
	v1 =	vld [tilespmem:s16+$0x1400]  }
0x1ac: {  	s9 =	sor.u32 s26, s6;
	s26 =	simm.s32 $0x1420  }
0x1ad: {  	s19 =	sor.u32 $0x10, s1;
	[tilespmem:s9+$0x0] =	vst v0;
	v0 =	vld [tilespmem:s26+$0x0]  }
0x1ae: {  	s6 =	sor.u32 s0, s6;
	v6 =	vmov s19;
	v2 =	vld.idx.msk [tilespmem:v2+s3+$0x0], $0xffff  }
0x1af: {  	[tilespmem:s6+$0x0] =	vst v3;
	v3 =	vadd.s32 v6, v15  }
0x1b0: {  	v10 =	vadd.s32 v4, v1;
	v7 =	vld.idx.msk [tilespmem:v7+s3+$0x0], $0xffff  }
0x1b1: {  	v9 =	vadd.s32 v6, v14;
	_ =	sdelay $0x1  }
0x1b2: {  	s4 =	sor.u32 $0x18, s1;
	[tilespmem:s9+$0x80] =	vst v2;
	v2 =	vadd.s32 v4, v0  }
0x1b3: {  	v8 =	vmov s4;
	v3 =	vld.idx.msk [tilespmem:v3+s3+$0x0], $0xffff  }
0x1b4: {  	v10 =	vld.idx.msk [tilespmem:v10+s3+$0x0], $0xffff;
	[tilespmem:s6+$0x80] =	vst v7;
	v7 =	vadd.s32 v8, v15  }
0x1b5: {  	v13 =	vadd.s32 v5, v1;
	s26 =	simm.s32 $0x100;
	v11 =	vld.idx.msk [tilespmem:v9+s3+$0x0], $0xffff  }
0x1b6: {  	v12 =	vadd.s32 v8, v14;
	s8 =	sand.u32 $0x7C00, s26  }
0x1b7: {  	s11 =	simm.s32 $0x1440;
	s4 =	sadd.s32 $0xA400, s8;
	v16 =	vld.idx.msk [tilespmem:v2+s3+$0x0], $0xffff  }
0x1b8: {  	s12 =	simm.s32 $0x40;
	s5 =	sor.u32 $0x20, s1;
	s30 =	sor.u32 s13, s4;
	v2 =	vld [tilespmem:s11+$0x0];
	[tilespmem:s9+$0x100] =	vst v3  }
0x1b9: {  	v17 =	vadd.s32 v5, v0;
	v9 =	vmov s5;
	[tilespmem:s30+$0x0] =	vst v10;
	s11 =	sand.u32 $0x60, s12;
	v7 =	vld.idx.msk [tilespmem:v7+s3+$0x0], $0xffff  }
0x1ba: {  	s16 =	sand.u32 $0xF80, s12;
	v18 =	vadd.s32 v9, v15;
	v10 =	vld.idx.msk [tilespmem:v13+s3+$0x0], $0xffff;
	[tilespmem:s6+$0x100] =	vst v11;
	s13 =	sor.u32 $0x10, s11  }
0x1bb: {  	v11 =	vld.idx.msk [tilespmem:v12+s3+$0x0], $0xffff;
	s5 =	sor.u32 s13, s16  }
0x1bc: {  	s29 =	sor.u32 s7, s4;
	v13 =	vadd.s32 v9, v14;
	v3 =	vld [tilespmem:s5+$0x1400]  }
0x1bd: {  	[tilespmem:s29+$0x0] =	vst v16;
	v16 =	vadd.s32 v6, v1  }
0x1be: {  	s19 =	sor.u32 $0x28, s1;
	v17 =	vld.idx.msk [tilespmem:v17+s3+$0x0], $0xffff;
	[tilespmem:s9+$0x180] =	vst v7;
	v7 =	vadd.s32 v4, v2  }
0x1bf: {  	v19 =	vadd.s32 v6, v0;
	v12 =	vmov s19;
	v18 =	vld.idx.msk [tilespmem:v18+s3+$0x0], $0xffff  }
0x1c0: {  	v20 =	vadd.s32 v12, v15;
	[tilespmem:s6+$0x180] =	vst v11  }
0x1c1: {  	[tilespmem:s30+$0x80] =	vst v10;
	v13 =	vld.idx.msk [tilespmem:v13+s3+$0x0], $0xffff;
	v21 =	vadd.s32 v4, v3  }
0x1c2: {  	v10 =	vld.idx.msk [tilespmem:v16+s3+$0x0], $0xffff;
	v16 =	vadd.s32 v12, v14  }
0x1c3: {  	[tilespmem:s29+$0x80] =	vst v17;
	v22 =	vld.idx.msk [tilespmem:v7+s3+$0x0], $0xffff;
	v7 =	vadd.s32 v8, v1  }
0x1c4: {  	v17 =	vld.idx.msk [tilespmem:v19+s3+$0x0], $0xffff;
	[tilespmem:s9+$0x200] =	vst v18  }
0x1c5: {  	s5 =	sor.u32 $0x30, s1;
	v19 =	vadd.s32 v8, v0;
	v18 =	vld.idx.msk [tilespmem:v20+s3+$0x0], $0xffff  }
0x1c6: {  	s28 =	simm.s32 $0x200;
	v24 =	vadd.s32 v5, v2;
	v11 =	vmov s5;
	[tilespmem:s6+$0x200] =	vst v13;
	v20 =	vld.idx.msk [tilespmem:v21+s3+$0x0], $0xffff  }
0x1c7: {  	s7 =	sand.u32 $0x7C00, s28;
	v13 =	vadd.s32 v11, v15;
	v16 =	vld.idx.msk [tilespmem:v16+s3+$0x0], $0xffff;
	[tilespmem:s30+$0x100] =	vst v10  }
0x1c8: {  	s8 =	simm.s32 $0x1460;
	s4 =	sadd.s32 $0xA400, s7;
	s1 =	sor.u32 $0x38, s1;
	v21 =	vadd.s32 v5, v3;
	v23 =	vld.idx.msk [tilespmem:v7+s3+$0x0], $0xffff  }
0x1c9: {  	v10 =	vmov s1;
	s1 =	sor.u32 s11, s4;
	v7 =	vld [tilespmem:s8+$0x0];
	[tilespmem:s29+$0x100] =	vst v17  }
0x1ca: {  	s7 =	simm.s32 $0x60;
	[tilespmem:s1+$0x0] =	vst v22;
	v17 =	vld.idx.msk [tilespmem:v19+s3+$0x0], $0xffff;
	v19 =	vadd.s32 v9, v1  }
0x1cb: {  	s10 =	sand.u32 $0x60, s7;
	s0 =	sor.u32 s13, s4;
	v22 =	vld.idx.msk [tilespmem:v24+s3+$0x0], $0xffff;
	[tilespmem:s9+$0x280] =	vst v18;
	v18 =	vadd.s32 v11, v14  }
0x1cc: {  	v25 =	vadd.s32 v9, v0;
	s19 =	sor.u32 $0x10, s10;
	s11 =	sand.u32 $0x3, s25;
	s9 =	sand.u32 $0xF80, s7;
	[tilespmem:s0+$0x0] =	vst v20;
	v20 =	vld.idx.msk [tilespmem:v13+s3+$0x0], $0xffff  }
0x1cd: {  	s4 =	sshll.u32 s11, $0x5;
	v15 =	vadd.s32 v10, v15;
	s5 =	sor.u32 s19, s9;
	v21 =	vld.idx.msk [tilespmem:v21+s3+$0x0], $0xffff  }
0x1ce: {  	v63 =	vadd.s32 v6, v3;
	s4 =	sadd.s32 $0x0, s4;
	v13 =	vld [tilespmem:s5+$0x1400];
	[tilespmem:s30+$0x180] =	vst v23  }
0x1cf: {  	s12 =	sadd.s32 $0x10, s4;
	[tilespmem:s6+$0x280] =	vst v16;
	v16 =	vadd.s32 v4, v7;
	v19 =	vld.idx.msk [tilespmem:v19+s3+$0x0], $0xffff  }
0x1d0: {  	s13 =	sor.u32 $0x300, s12;
	v23 =	vadd.s32 v6, v2;
	[tilespmem:s29+$0x180] =	vst v17;
	v17 =	vld.idx.msk [tilespmem:v18+s3+$0x0], $0xffff  }
0x1d1: {  	v25 =	vld.idx.msk [tilespmem:v25+s3+$0x0], $0xffff;
	v18 =	vadd.s32 v12, v1;
	[tilespmem:s13+$0xA400] =	vst v20  }
0x1d2: {  	v14 =	vadd.s32 v10, v14;
	[tilespmem:s0+$0x80] =	vst v21;
	v27 =	vld.idx.msk [tilespmem:v15+s3+$0x0], $0xffff  }
0x1d3: {  	v26 =	vadd.s32 v4, v13;
	v24 =	vld.idx.msk [tilespmem:v63+s3+$0x0], $0xffff  }
0x1d4: {  	[tilespmem:s1+$0x80] =	vst v22;
	v15 =	vadd.s32 v12, v0;
	v16 =	vld.idx.msk [tilespmem:v16+s3+$0x0], $0xffff  }
0x1d5: {  	v28 =	vadd.s32 v8, v3;
	s16 =	sor.u32 $0x300, s4;
	v20 =	vld.idx.msk [tilespmem:v23+s3+$0x0], $0xffff;
	[tilespmem:s30+$0x200] =	vst v19  }
0x1d6: {  	v18 =	vld.idx.msk [tilespmem:v18+s3+$0x0], $0xffff;
	[tilespmem:s16+$0xA400] =	vst v17  }
0x1d7: {  	v21 =	vadd.s32 v8, v2;
	v14 =	vld.idx.msk [tilespmem:v14+s3+$0x0], $0xffff  }
0x1d8: {  	[tilespmem:s29+$0x200] =	vst v25;
	v17 =	vadd.s32 v11, v1;
	v22 =	vld.idx.msk [tilespmem:v26+s3+$0x0], $0xffff  }
0x1d9: {  	s11 =	simm.s32 $0x1480;
	s6 =	simm.s32 $0x300;
	s5 =	sor.u32 $0x380, s12;
	v23 =	vadd.s32 v5, v13;
	v15 =	vld.idx.msk [tilespmem:v15+s3+$0x0], $0xffff;
	[tilespmem:s0+$0x100] =	vst v24  }
0x1da: {  	s9 =	sor.u32 $0x380, s4;
	s4 =	sand.u32 $0x7C00, s6;
	s13 =	simm.s32 $0x6;
	[tilespmem:s5+$0xA400] =	vst v27;
	v19 =	vld.idx.msk [tilespmem:v28+s3+$0x0], $0xffff  }
.LBB2_12:
0x1db: {  	v24 =	vld [tilespmem:s11+$0x0];
	s4 =	sadd.s32 $0xA400, s4;
	v25 =	vadd.s32 v5, v7;
	s7 =	sadd.s32 $0x20, s7;
	[tilespmem:s1+$0x100] =	vst v20;
	s25 =	sadd.s32 $0x1, s25  }
0x1dc: {  	s13 =	sadd.s32 $0x2, s13;
	s5 =	sand.u32 $0x60, s7;
	s12 =	sor.u32 s19, s4;
	v20 =	vld.idx.msk [tilespmem:v21+s3+$0x0], $0xffff;
	v21 =	vadd.s32 v9, v3;
	[tilespmem:s30+$0x280] =	vst v18  }
0x1dd: {  	s16 =	sand.u32 $0xF80, s7;
	p0 =	slt.u32 s13, $0xFE;
	v18 =	vadd.s32 v11, v0;
	s19 =	sor.u32 $0x10, s5;
	[tilespmem:s12+$0x0] =	vst v22;
	v17 =	vld.idx.msk [tilespmem:v17+s3+$0x0], $0xffff  }
0x1de: {  	s4 =	sor.u32 s10, s4;
	s10 =	sand.u32 $0x3, s25;
	s16 =	sor.u32 s19, s16;
	v22 =	vld.idx.msk [tilespmem:v23+s3+$0x0], $0xffff;
	v23 =	vadd.s32 v9, v2;
	[tilespmem:s29+$0x280] =	vst v15  }
0x1df: {  	s30 =	smov.u32 s0;
	s29 =	sshll.u32 s10, $0x5;
	v15 =	vadd.s32 v10, v1;
	v1 =	vmov v3;
	v3 =	vmov v13;
	s10 =	smov.u32 s5;
	[tilespmem:s4+$0x0] =	vst v16;
	v13 =	vld [tilespmem:s16+$0x1400]  }
0x1e0: {  	s0 =	smov.u32 s12;
	v16 =	vadd.s32 v6, v3;
	s5 =	sadd.s32 s29, s26;
	s29 =	smov.u32 s1;
	v25 =	vld.idx.msk [tilespmem:v25+s3+$0x0], $0xffff;
	[tilespmem:s30+$0x180] =	vst v19  }
0x1e1: {  	v19 =	vadd.s32 v4, v24;
	s12 =	sor.u32 $0x300, s5;
	s16 =	sadd.s32 $0x10, s5;
	v21 =	vld.idx.msk [tilespmem:v21+s3+$0x0], $0xffff;
	[tilespmem:s9+$0xA400] =	vst v14;
	s9 =	sor.u32 $0x380, s5  }
0x1e2: {  	s1 =	smov.u32 s4;
	s26 =	smov.u32 s28;
	v14 =	vadd.s32 v6, v7;
	s5 =	sor.u32 $0x300, s16;
	[tilespmem:s29+$0x180] =	vst v20;
	v26 =	vld.idx.msk [tilespmem:v18+s3+$0x0], $0xffff  }
0x1e3: {  	s28 =	smov.u32 s6;
	v18 =	vadd.s32 v12, v1;
	v23 =	vld.idx.msk [tilespmem:v23+s3+$0x0], $0xffff;
	[tilespmem:s5+$0xA400] =	vst v17  }
0x1e4: {  	v17 =	vadd.s32 v4, v13;
	[tilespmem:s0+$0x80] =	vst v22;
	v27 =	vld.idx.msk [tilespmem:v15+s3+$0x0], $0xffff  }
0x1e5: {  	v15 =	vadd.s32 v12, v2;
	v28 =	vld.idx.msk [tilespmem:v16+s3+$0x0], $0xffff  }
0x1e6: {  	v16 =	vld.idx.msk [tilespmem:v19+s3+$0x0], $0xffff;
	[tilespmem:s1+$0x80] =	vst v25;
	v19 =	vadd.s32 v10, v0;
	v0 =	vmovc v2;
	v2 =	vmov v7;
	v7 =	vmov v24  }
0x1e7: {  	v24 =	vadd.s32 v8, v3;
	v20 =	vld.idx.msk [tilespmem:v14+s3+$0x0], $0xffff;
	[tilespmem:s30+$0x200] =	vst v21  }
.Ltmp4:
0x1e8: {  	v18 =	vld.idx.msk [tilespmem:v18+s3+$0x0], $0xffff;
	[tilespmem:s12+$0xA400] =	vst v26;
	(pc) =	sbr.rel @p0 .LBB2_12-.Ltmp4, $4  }
0x1e9: {  	s4 =	sor.u32 $0x380, s16;
	v21 =	vadd.s32 v8, v2;
	v22 =	vld.idx.msk [tilespmem:v17+s3+$0x0], $0xffff;
	[tilespmem:s29+$0x200] =	vst v23  }
0x1ea: {  	v17 =	vadd.s32 v11, v1;
	v15 =	vld.idx.msk [tilespmem:v15+s3+$0x0], $0xffff;
	[tilespmem:s4+$0xA400] =	vst v27  }
0x1eb: {  	s6 =	sadd.s32 $0x100, s6;
	v23 =	vadd.s32 v5, v13;
	[tilespmem:s0+$0x100] =	vst v28;
	v14 =	vld.idx.msk [tilespmem:v19+s3+$0x0], $0xffff  }
0x1ec: {  	s11 =	sadd.s32 $0x20, s11;
	s4 =	sand.u32 $0x7C00, s6;
	v19 =	vld.idx.msk [tilespmem:v24+s3+$0x0], $0xffff  }
0x1ed: {  	v4 =	vadd.s32 v5, v7  }
0x1ee: {  	s4 =	sadd.s32 $0xA400, s4  }
0x1ef: {  	s11 =	sor.u32 s19, s4  }
0x1f0: {  	s7 =	sor.u32 s10, s4;
	[tilespmem:s11+$0x0] =	vst v22  }
0x1f1: {  	[tilespmem:s7+$0x0] =	vst v16;
	v35 =	vld.idx.msk [tilespmem:v23+s3+$0x0], $0xffff  }
0x1f2: {  	v36 =	vadd.s32 v6, v13;
	v4 =	vld.idx.msk [tilespmem:v4+s3+$0x0], $0xffff  }
0x1f3: {  	v37 =	vadd.s32 v6, v7;
	_ =	sdelay $0x2  }
0x1f4: {  	[tilespmem:s11+$0x80] =	vst v35  }
0x1f5: {  	v5 =	vld.idx.msk [tilespmem:v36+s3+$0x0], $0xffff;
	[tilespmem:s7+$0x80] =	vst v4  }
0x1f6: {  	v38 =	vadd.s32 v8, v13;
	v4 =	vld.idx.msk [tilespmem:v37+s3+$0x0], $0xffff  }
0x1f7: {  	v39 =	vadd.s32 v8, v7  }
0x1f8: {  	[tilespmem:s1+$0x100] =	vst v20  }
0x1f9: {  	v40 =	vld.idx.msk [tilespmem:v21+s3+$0x0], $0xffff  }
0x1fa: {  	v42 =	vadd.s32 v9, v2;
	[tilespmem:s11+$0x100] =	vst v5  }
0x1fb: {  	v41 =	vadd.s32 v9, v3;
	v6 =	vld.idx.msk [tilespmem:v38+s3+$0x0], $0xffff;
	[tilespmem:s7+$0x100] =	vst v4  }
0x1fc: {  	v43 =	vadd.s32 v9, v13;
	v4 =	vld.idx.msk [tilespmem:v39+s3+$0x0], $0xffff  }
0x1fd: {  	v44 =	vadd.s32 v9, v7  }
0x1fe: {  	[tilespmem:s1+$0x180] =	vst v40  }
0x1ff: {  	[tilespmem:s0+$0x180] =	vst v19;
	v5 =	vld.idx.msk [tilespmem:v42+s3+$0x0], $0xffff  }
0x200: {  	v46 =	vadd.s32 v12, v2;
	v19 =	vld.idx.msk [tilespmem:v41+s3+$0x0], $0xffff;
	[tilespmem:s11+$0x180] =	vst v6  }
0x201: {  	v45 =	vadd.s32 v12, v3;
	v8 =	vld.idx.msk [tilespmem:v43+s3+$0x0], $0xffff;
	[tilespmem:s7+$0x180] =	vst v4  }
0x202: {  	v47 =	vadd.s32 v12, v13;
	v4 =	vld.idx.msk [tilespmem:v44+s3+$0x0], $0xffff  }
0x203: {  	[tilespmem:s30+$0x280] =	vst v18;
	v48 =	vadd.s32 v12, v7  }
0x204: {  	v49 =	vadd.s32 v11, v0;
	[tilespmem:s1+$0x200] =	vst v5  }
0x205: {  	[tilespmem:s0+$0x200] =	vst v19;
	v5 =	vld.idx.msk [tilespmem:v46+s3+$0x0], $0xffff  }
0x206: {  	v51 =	vadd.s32 v11, v2;
	v16 =	vld.idx.msk [tilespmem:v45+s3+$0x0], $0xffff;
	[tilespmem:s11+$0x200] =	vst v8  }
0x207: {  	v50 =	vadd.s32 v11, v3;
	v9 =	vld.idx.msk [tilespmem:v47+s3+$0x0], $0xffff;
	[tilespmem:s7+$0x200] =	vst v4  }
0x208: {  	v52 =	vadd.s32 v11, v13;
	[tilespmem:s29+$0x280] =	vst v15;
	v4 =	vld.idx.msk [tilespmem:v48+s3+$0x0], $0xffff  }
0x209: {  	s25 =	sadd.s32 $0x1, s25;
	v54 =	vadd.s32 v11, v7;
	[tilespmem:s9+$0xA400] =	vst v14;
	v55 =	vld.idx.msk [tilespmem:v49+s3+$0x0], $0xffff  }
0x20a: {  	v56 =	vadd.s32 v10, v0;
	v53 =	vld.idx.msk [tilespmem:v17+s3+$0x0], $0xffff;
	s5 =	sand.u32 $0x3, s25;
	s4 =	sadd.s32 $0x1, s25;
	[tilespmem:s1+$0x280] =	vst v5  }
0x20b: {  	v1 =	vadd.s32 v10, v1;
	s5 =	sshll.u32 s5, $0x5;
	s29 =	sand.u32 $0x3, s4;
	[tilespmem:s0+$0x280] =	vst v16;
	v5 =	vld.idx.msk [tilespmem:v51+s3+$0x0], $0xffff  }
0x20c: {  	v58 =	vadd.s32 v10, v2;
	s4 =	sadd.s32 $0x1, s4;
	s26 =	sadd.s32 s5, s26;
	s5 =	sshll.u32 s29, $0x5;
	v6 =	vld.idx.msk [tilespmem:v50+s3+$0x0], $0xffff;
	[tilespmem:s11+$0x280] =	vst v9  }
0x20d: {  	v57 =	vadd.s32 v10, v3;
	s4 =	sand.u32 $0x3, s4;
	s30 =	sadd.s32 $0x10, s26;
	s10 =	sor.u32 $0x300, s26;
	v59 =	vld.idx.msk [tilespmem:v52+s3+$0x0], $0xffff;
	[tilespmem:s7+$0x280] =	vst v4  }
0x20e: {  	v60 =	vadd.s32 v10, v13;
	s5 =	sadd.s32 s5, s28;
	s4 =	sshll.u32 s4, $0x5;
	s8 =	sor.u32 $0x300, s30;
	[tilespmem:s10+$0xA400] =	vst v55;
	v61 =	vld.idx.msk [tilespmem:v54+s3+$0x0], $0xffff  }
0x20f: {  	v62 =	vadd.s32 v10, v7;
	s4 =	sadd.s32 s4, s6;
	s13 =	sor.u32 $0x300, s5;
	[tilespmem:s8+$0xA400] =	vst v53;
	v0 =	vld.idx.msk [tilespmem:v56+s3+$0x0], $0xffff;
	s11 =	sadd.s32 $0x10, s5  }
0x210: {  	s16 =	sadd.s32 $0x10, s4;
	v1 =	vld.idx.msk [tilespmem:v1+s3+$0x0], $0xffff;
	[tilespmem:s13+$0xA400] =	vst v5;
	s12 =	sor.u32 $0x300, s11  }
0x211: {  	s19 =	sor.u32 $0x300, s16;
	v2 =	vld.idx.msk [tilespmem:v58+s3+$0x0], $0xffff;
	[tilespmem:s12+$0xA400] =	vst v6  }
0x212: {  	s25 =	sor.u32 $0x300, s4;
	v3 =	vld.idx.msk [tilespmem:v57+s3+$0x0], $0xffff;
	[tilespmem:s19+$0xA400] =	vst v59  }
0x213: {  	s0 =	sor.u32 $0x380, s26;
	v4 =	vld.idx.msk [tilespmem:v60+s3+$0x0], $0xffff;
	[tilespmem:s25+$0xA400] =	vst v61  }
0x214: {  	s23 =	sadd.s32 $0x1, s23;
	[tilespmem:s0+$0xA400] =	vst v0;
	s1 =	sor.u32 $0x380, s30;
	v63 =	vld.idx.msk [tilespmem:v62+s3+$0x0], $0xffff  }
0x215: {  	p0 =	sne.s32 s23, $0x8;
	s28 =	sor.u32 $0x380, s5;
	[tilespmem:s1+$0xA400] =	vst v1  }
.Ltmp5:
0x216: {  	s29 =	sshll.u32 s24, $0xF;
	s26 =	sor.u32 $0x380, s11;
	[tilespmem:s28+$0xA400] =	vst v2;
	(pc) =	sbr.rel @p0 .LBB2_9-.Ltmp5, $4  }
0x217: {  	s0 =	sadd.s32 s22, s29;
	s30 =	sor.u32 $0x380, s16;
	[tilespmem:s26+$0xA400] =	vst v3  }
0x218: {  	s4 =	sor.u32 $0x380, s4;
	s0 =	sshrl.u32 s0, $0x3;
	[tilespmem:s30+$0xA400] =	vst v4  }
0x219: {  	s0 =	sadd.s32 s2, s0;
	[tilespmem:s4+$0xA400] =	vst v63  }
0x21a: {  	[hbm4b:s0+s3] =	stream.linear.scatter [tilespmem:s15], [sflag:$0x2], $0x8000, $0x38;
	[tilespmem:$0x12400] =	vst v63  }
0x21b: {  	s20 =	sadd.s32 $0x1, s20  }
0x21c: {  	p0 =	sne.s32 s20, $0x10  }
.Ltmp6:
0x21d: {  	_ = 	snop;
	(pc) =	sbr.rel @p0 .LBB2_2-.Ltmp6, $1  }
0x21e: {  	_ =	sdelay $0x3  }
0x21f: {  	_ =	swait.ge [sflag:s17], $0x8000  }
0x220: {  	[sflag:s17] =	ssyncset.done $0x0  }
0x221: {  	[sflag:s17] =	ssyncadd.s32 $0xFFFF8000  }
0x222: {  	_ =	swait.ge [sflag:s18], $0x8000  }
0x223: {  	[sflag:s18] =	ssyncset.done $0x0  }
0x224: {  	s1 =	simm.s32 $0x3;
	[sflag:s18] =	ssyncadd.s32 $0xFFFF8000  }
0x225: {  	_ =	swait.ge [sflag:s1], $0x1000  }
0x226: {  	s4 =	rddreg [dreg:$0x8]  }
0x227: {  	s0 =	rddreg [dreg:$0x7];
	s4 =	sadd.s32 $0x1, s4  }
0x228: {  	p0 =	sne.s32 s4, s0  }
.Ltmp7:
0x229: {  	_ = 	snop;
	(pc) =	sbr.rel @p0 .LBB2_1-.Ltmp7, $3  }
0x22a: {  	_ =	sdelay $0x1  }
0x22b: {  	[sflag:s1] =	ssyncset.done $0x0  }
0x22c: {  	[sflag:s1] =	ssyncadd.s32 $0xFFFFF000  }
0x22d: {  	_ =	sfence.sel $0x180000  }
0x22e: {  	[bflag:$0x0] =	sbarrier.arrive $0xFFFF  }
0x22f: {  	_ =	strace $0x90000047  }
0x230: {  	s0 =	stileid.u32;
	[bflag:$0x2] =	sbarrier.arrive $0xFFFF  }
0x231: {  	p0 =	sne.s32 s0, $0x0;
	s0 =	rddreg [dreg:$0x2]  }
0x232: {  	s0 =	sadd.s32 @!p0 $0x100000, s0  }
0x233: {  	[sflag:s0] =	ssyncadd.tile.s32 @!p0 $0x1;
	_ =	shalt  }
.Lfunc_end2:
_tile_overlayer_lowered:
.L_overlay_start_2:
0x234: {  	(tag) =	ssettag $0x2  }
0x235: {  	s0 =	rddreg [dreg:$0x0];
	s2 =	stileid.u32  }
0x236: {  	s1 =	rddreg [dreg:$0x1];
	p0 =	sne.s32 s2, $0x0  }
0x237: {  	s3 =	rddreg [dreg:$0x2];
	[bflag:$0x3] =	sbarrier.arrive $0xFFFF;
	s2 =	simm.s32 @!p0 $0x1C05  }
0x238: {  	[timem:s3], [sflag:s2] =	dma.local @!p0 [hbm:s0], s1  }
0x239: {  	s0 =	simm.s32 @!p0 $0x5  }
0x23a: {  	_ =	swait.ge @!p0 [sflag:s0], s1  }
0x23b: {  	s1 =	ssub.s32 @!p0 $0x0, s1;
	[sflag:s0] =	ssyncset.done @!p0 $0x0  }
0x23c: {  	[sflag:s0] =	ssyncadd.s32 @!p0 s1  }
0x23d: {  	[bflag:$0x3] =	sbarrier.arrive $0xFFFF  }
0x23e: {  	_ =	shalt  }

</sc_bundles>
